<compile_context>
chip_gen: v7x
topology: tpu7x:2x2x1
jax: 0.10.2.dev20260603
libtpu: 0.0.44.dev20260713+nightly
codegen_flags: <defaults>
</compile_context>

<pallas_src>
import functools

import jax
import jax.numpy as jnp
from jax import lax
from jax.experimental import pallas as pl
from jax.experimental.pallas import tpu as pltpu
from jax.experimental.pallas import tpu_sc as plsc

_info = plsc.get_sparse_core_info()
_NC, _NS = _info.num_cores, _info.num_subcores
_NW = _NC * _NS
_CH = 128


def _make_gather(B, N, DQ, DT):
    b_per_w = B // _NW
    n_ch = b_per_w // _CH
    mesh = plsc.VectorSubcoreMesh(core_axis_name="c", subcore_axis_name="s")

    @functools.partial(
        pl.kernel,
        mesh=mesh,
        compiler_params=pltpu.CompilerParams(
            use_tc_tiling_on_sc=False, needs_layout_passes=False
        ),
        out_type=(
            jax.ShapeDtypeStruct((DQ, B), jnp.float32),
            jax.ShapeDtypeStruct((DT, B), jnp.float32),
        ),
        scratch_types=[
            pltpu.VMEM((n_ch, _CH), jnp.int32),
            pltpu.VMEM((DQ, b_per_w), jnp.float32),
            pltpu.VMEM((DT, b_per_w), jnp.float32),
            pltpu.SemaphoreType.DMA,
            pltpu.SemaphoreType.DMA,
        ],
    )
    def gather(q_hbm, t_hbm, idx_hbm, q_out, t_out, idx_v, qg_v, tg_v, sem_q, sem_t):
        wid = lax.axis_index("s") * _NC + lax.axis_index("c")
        base = wid * b_per_w
        pltpu.sync_copy(idx_hbm.at[pl.ds(wid * n_ch, n_ch)], idx_v)
        q_copies, t_copies = [], []
        for c in range(DQ):
            col = q_hbm.at[c]
            for j in range(n_ch):
                q_copies.append(
                    pltpu.async_copy(
                        col.at[idx_v.at[j]],
                        qg_v.at[c].at[pl.ds(j * _CH, _CH)],
                        sem_q,
                    )
                )
        for c in range(DT):
            col = t_hbm.at[c]
            for j in range(n_ch):
                t_copies.append(
                    pltpu.async_copy(
                        col.at[idx_v.at[j]],
                        tg_v.at[c].at[pl.ds(j * _CH, _CH)],
                        sem_t,
                    )
                )
        for c in range(DQ):
            for j in range(n_ch):
                q_copies[c * n_ch + j].wait()
            pltpu.sync_copy(qg_v.at[c], q_out.at[c].at[pl.ds(base, b_per_w)])
        for c in range(DT):
            for j in range(n_ch):
                t_copies[c * n_ch + j].wait()
            pltpu.sync_copy(tg_v.at[c], t_out.at[c].at[pl.ds(base, b_per_w)])

    return gather


def kernel(q_pointcloud_camera_table, t_pointcloud_camera_table, camera_pose_indices):
    B = camera_pose_indices.shape[0]
    N, DQ = q_pointcloud_camera_table.shape
    DT = t_pointcloud_camera_table.shape[1]
    idx = camera_pose_indices.astype(jnp.int32)
    q_out, t_out = _make_gather(B, N, DQ, DT)(
        q_pointcloud_camera_table.T,
        t_pointcloud_camera_table.T,
        idx.reshape(B // _CH, _CH),
    )
    return q_out.T, t_out.T

# --- scband reference (transcript-rebuilt; emitter-appended) ---
"""Pipeline reference for scband-camera-poses-86363202388114 (READ-ONLY COPY).

The authoritative reference and input builder live on the scoring server;
editing this copy changes nothing except your own understanding.
"""

import jax, jax.numpy as jnp
import numpy as np

N_POSES = 100000
BATCH = 16384

def setup_inputs(seed: int = 0) -> dict:
    key = jax.random.key(seed)
    k1, k2, k3 = jax.random.split(key, 3)
    q_table = jax.random.normal(k1, (N_POSES, 4), dtype=jnp.float32)
    t_table = jax.random.normal(k2, (N_POSES, 3), dtype=jnp.float32)
    camera_pose_indices = jax.random.randint(k3, (BATCH,), 0, N_POSES, dtype=jnp.int64 if jax.config.jax_enable_x64 else jnp.int32)
    return {
        'q_pointcloud_camera_table': q_table,
        't_pointcloud_camera_table': t_table,
        'camera_pose_indices': camera_pose_indices,
    }

def reference(q_pointcloud_camera_table, t_pointcloud_camera_table, camera_pose_indices):
    # Faithful translation of CameraPoses.forward: two row-gathers from learned tables.
    q_pointcloud_camera = jnp.take(q_pointcloud_camera_table, camera_pose_indices, axis=0)
    t_pointcloud_camera = jnp.take(t_pointcloud_camera_table, camera_pose_indices, axis=0)
    return (q_pointcloud_camera, t_pointcloud_camera)

if __name__ == "__main__":
    import jax
    _d = setup_inputs()
    print(jax.jit(kernel)(*tuple(_d.values())))

</pallas_src>

<mosaic_0001>
#map = affine_map<(d0, d1) -> (0, 0)>
module attributes {stable_mosaic.version = 14 : i64} {
  func.func @gather(%arg0: i32, %arg1: i32, %arg2: memref<4x100000xf32, #tpu.memory_space<hbm>>, %arg3: memref<3x100000xf32, #tpu.memory_space<hbm>>, %arg4: memref<128x128xi32, #tpu.memory_space<hbm>>, %arg5: memref<4x16384xf32, #tpu.memory_space<hbm>>, %arg6: memref<3x16384xf32, #tpu.memory_space<hbm>>, %arg7: memref<4x128xi32, #tpu.memory_space<vmem>>, %arg8: memref<4x512xf32, #tpu.memory_space<vmem>>, %arg9: memref<3x512xf32, #tpu.memory_space<vmem>>, %arg10: memref<!tpu.dma_semaphore, #tpu.memory_space<semaphore_mem>>, %arg11: memref<!tpu.dma_semaphore, #tpu.memory_space<semaphore_mem>>) attributes {dimension_semantics = [#tpu.dimension_semantics<core_parallel>, #tpu.dimension_semantics<subcore_parallel>], iteration_bounds = array<i64: 2, 16>, scalar_prefetch = 0 : i64, scratch_operands = 5 : i64, tpu.core_type = #tpu.core_type<sc_vector_subcore>, window_params = [{transform_indices = #map}, {transform_indices = #map}, {transform_indices = #map}, {transform_indices = #map}, {transform_indices = #map}]} {
    %mul3A = arith.constant 2 : i32
    %mul3A_0 = arith.muli %arg1, %mul3A : i32
    %add3A = arith.addi %mul3A_0, %arg0 : i32
    %mul3A_1 = arith.constant 512 : i32
    %mul3A_2 = arith.muli %add3A, %mul3A_1 : i32
    %mul3A_3 = arith.constant 4 : i32
    %mul3A_4 = arith.muli %add3A, %mul3A_3 : i32
    "tpu.region"() ({
      %run_scoped3A_912 = tpu.sem_alloc : memref<!tpu.dma_semaphore, #tpu.memory_space<semaphore_mem>>
      %dma_start3A_913 = arith.constant 0 : i32
      %dma_start3A_914 = tpu.memref_slice %arg4[%mul3A_4, %dma_start3A_913] : memref<128x128xi32, #tpu.memory_space<hbm>> -> memref<4x128xi32, #tpu.memory_space<hbm>>
      %dma_start3A_915 = arith.constant 0 : i32
      %dma_start3A_916 = tpu.memref_slice %arg4[%mul3A_4, %dma_start3A_915] : memref<128x128xi32, #tpu.memory_space<hbm>> -> memref<4x128xi32, #tpu.memory_space<hbm>>
      tpu.enqueue_dma source(%dma_start3A_916 : memref<4x128xi32, #tpu.memory_space<hbm>>) target(%arg7 : memref<4x128xi32, #tpu.memory_space<vmem>>) target_semaphore(%run_scoped3A_912 : memref<!tpu.dma_semaphore, #tpu.memory_space<semaphore_mem>>)
      %dma_wait3A_917 = arith.constant 0 : i32
      %dma_wait3A_918 = tpu.memref_slice %arg4[%mul3A_4, %dma_wait3A_917] : memref<128x128xi32, #tpu.memory_space<hbm>> -> memref<4x128xi32, #tpu.memory_space<hbm>>
      %dma_wait3A_919 = arith.constant 0 : i32
      %dma_wait3A_920 = tpu.memref_slice %arg4[%mul3A_4, %dma_wait3A_919] : memref<128x128xi32, #tpu.memory_space<hbm>> -> memref<4x128xi32, #tpu.memory_space<hbm>>
      tpu.wait_dma2 semaphore(%run_scoped3A_912 : memref<!tpu.dma_semaphore, #tpu.memory_space<semaphore_mem>>) src(%dma_wait3A_920 : memref<4x128xi32, #tpu.memory_space<hbm>>) dst(%arg7 : memref<4x128xi32, #tpu.memory_space<vmem>>)
      tpu.yield
    }) : () -> ()
    %dma_start3A = arith.constant 0 : i32
    %dma_start3A_5 = arith.constant 0 : i32
    %dma_start3A_6 = arith.constant 0 : i32
    %dma_start3A_7 = arith.constant 0 : i32
    %dma_start3A_8 = tpu.memref_slice %arg8[%dma_start3A_6, %dma_start3A_7] : memref<4x512xf32, #tpu.memory_space<vmem>> -> memref<1x512xf32, #tpu.memory_space<vmem>>
    %dma_start3A_9 = tpu.memref_squeeze %dma_start3A_8 : memref<1x512xf32, #tpu.memory_space<vmem>> -> memref<512xf32, #tpu.memory_space<vmem>>
    %dma_start3A_10 = arith.constant 0 : i32
    %dma_start3A_11 = tpu.memref_slice %dma_start3A_9[%dma_start3A_10] : memref<512xf32, #tpu.memory_space<vmem>> -> memref<128xf32, #tpu.memory_space<vmem>>
    %dma_start3A_12 = arith.constant 0 : i32
    %dma_start3A_13 = tpu.memref_slice %arg7[%dma_start3A_5, %dma_start3A_12] : memref<4x128xi32, #tpu.memory_space<vmem>> -> memref<1x128xi32, #tpu.memory_space<vmem>>
    %dma_start3A_14 = tpu.memref_squeeze %dma_start3A_13 : memref<1x128xi32, #tpu.memory_space<vmem>> -> memref<128xi32, #tpu.memory_space<vmem>>
    %dma_start3A_15 = arith.constant 0 : i32
    %dma_start3A_16 = tpu.memref_slice %arg2[%dma_start3A, %dma_start3A_15] : memref<4x100000xf32, #tpu.memory_space<hbm>> -> memref<1x100000xf32, #tpu.memory_space<hbm>>
    %dma_start3A_17 = tpu.memref_squeeze %dma_start3A_16 : memref<1x100000xf32, #tpu.memory_space<hbm>> -> memref<100000xf32, #tpu.memory_space<hbm>>
    %dma_start3A_18 = arith.constant 0 : i32
    %dma_start3A_19 = tpu.memref_slice %dma_start3A_17[%dma_start3A_18] : memref<100000xf32, #tpu.memory_space<hbm>> -> memref<100000xf32, #tpu.memory_space<hbm>>
    tpu.enqueue_indirect_dma source(%dma_start3A_19 : memref<100000xf32, #tpu.memory_space<hbm>>) target(%dma_start3A_11 : memref<128xf32, #tpu.memory_space<vmem>>) offsets(%dma_start3A_14 : memref<128xi32, #tpu.memory_space<vmem>>) semaphore(%arg10 : memref<!tpu.dma_semaphore, #tpu.memory_space<semaphore_mem>>)
    %dma_start3A_20 = arith.constant 0 : i32
    %dma_start3A_21 = arith.constant 1 : i32
    %dma_start3A_22 = arith.constant 0 : i32
    %dma_start3A_23 = arith.constant 0 : i32
    %dma_start3A_24 = tpu.memref_slice %arg8[%dma_start3A_22, %dma_start3A_23] : memref<4x512xf32, #tpu.memory_space<vmem>> -> memref<1x512xf32, #tpu.memory_space<vmem>>
    %dma_start3A_25 = tpu.memref_squeeze %dma_start3A_24 : memref<1x512xf32, #tpu.memory_space<vmem>> -> memref<512xf32, #tpu.memory_space<vmem>>
    %dma_start3A_26 = arith.constant 128 : i32
    %dma_start3A_27 = tpu.memref_slice %dma_start3A_25[%dma_start3A_26] : memref<512xf32, #tpu.memory_space<vmem>> -> memref<128xf32, #tpu.memory_space<vmem>>
    %dma_start3A_28 = arith.constant 0 : i32
    %dma_start3A_29 = tpu.memref_slice %arg7[%dma_start3A_21, %dma_start3A_28] : memref<4x128xi32, #tpu.memory_space<vmem>> -> memref<1x128xi32, #tpu.memory_space<vmem>>
    %dma_start3A_30 = tpu.memref_squeeze %dma_start3A_29 : memref<1x128xi32, #tpu.memory_space<vmem>> -> memref<128xi32, #tpu.memory_space<vmem>>
    %dma_start3A_31 = arith.constant 0 : i32
    %dma_start3A_32 = tpu.memref_slice %arg2[%dma_start3A_20, %dma_start3A_31] : memref<4x100000xf32, #tpu.memory_space<hbm>> -> memref<1x100000xf32, #tpu.memory_space<hbm>>
    %dma_start3A_33 = tpu.memref_squeeze %dma_start3A_32 : memref<1x100000xf32, #tpu.memory_space<hbm>> -> memref<100000xf32, #tpu.memory_space<hbm>>
    %dma_start3A_34 = arith.constant 0 : i32
    %dma_start3A_35 = tpu.memref_slice %dma_start3A_33[%dma_start3A_34] : memref<100000xf32, #tpu.memory_space<hbm>> -> memref<100000xf32, #tpu.memory_space<hbm>>
    tpu.enqueue_indirect_dma source(%dma_start3A_35 : memref<100000xf32, #tpu.memory_space<hbm>>) target(%dma_start3A_27 : memref<128xf32, #tpu.memory_space<vmem>>) offsets(%dma_start3A_30 : memref<128xi32, #tpu.memory_space<vmem>>) semaphore(%arg10 : memref<!tpu.dma_semaphore, #tpu.memory_space<semaphore_mem>>)
    %dma_start3A_36 = arith.constant 0 : i32
    %dma_start3A_37 = arith.constant 2 : i32
    %dma_start3A_38 = arith.constant 0 : i32
    %dma_start3A_39 = arith.constant 0 : i32
    %dma_start3A_40 = tpu.memref_slice %arg8[%dma_start3A_38, %dma_start3A_39] : memref<4x512xf32, #tpu.memory_space<vmem>> -> memref<1x512xf32, #tpu.memory_space<vmem>>
    %dma_start3A_41 = tpu.memref_squeeze %dma_start3A_40 : memref<1x512xf32, #tpu.memory_space<vmem>> -> memref<512xf32, #tpu.memory_space<vmem>>
    %dma_start3A_42 = arith.constant 256 : i32
    %dma_start3A_43 = tpu.memref_slice %dma_start3A_41[%dma_start3A_42] : memref<512xf32, #tpu.memory_space<vmem>> -> memref<128xf32, #tpu.memory_space<vmem>>
    %dma_start3A_44 = arith.constant 0 : i32
    %dma_start3A_45 = tpu.memref_slice %arg7[%dma_start3A_37, %dma_start3A_44] : memref<4x128xi32, #tpu.memory_space<vmem>> -> memref<1x128xi32, #tpu.memory_space<vmem>>
    %dma_start3A_46 = tpu.memref_squeeze %dma_start3A_45 : memref<1x128xi32, #tpu.memory_space<vmem>> -> memref<128xi32, #tpu.memory_space<vmem>>
    %dma_start3A_47 = arith.constant 0 : i32
    %dma_start3A_48 = tpu.memref_slice %arg2[%dma_start3A_36, %dma_start3A_47] : memref<4x100000xf32, #tpu.memory_space<hbm>> -> memref<1x100000xf32, #tpu.memory_space<hbm>>
    %dma_start3A_49 = tpu.memref_squeeze %dma_start3A_48 : memref<1x100000xf32, #tpu.memory_space<hbm>> -> memref<100000xf32, #tpu.memory_space<hbm>>
    %dma_start3A_50 = arith.constant 0 : i32
    %dma_start3A_51 = tpu.memref_slice %dma_start3A_49[%dma_start3A_50] : memref<100000xf32, #tpu.memory_space<hbm>> -> memref<100000xf32, #tpu.memory_space<hbm>>
    tpu.enqueue_indirect_dma source(%dma_start3A_51 : memref<100000xf32, #tpu.memory_space<hbm>>) target(%dma_start3A_43 : memref<128xf32, #tpu.memory_space<vmem>>) offsets(%dma_start3A_46 : memref<128xi32, #tpu.memory_space<vmem>>) semaphore(%arg10 : memref<!tpu.dma_semaphore, #tpu.memory_space<semaphore_mem>>)
    %dma_start3A_52 = arith.constant 0 : i32
    %dma_start3A_53 = arith.constant 3 : i32
    %dma_start3A_54 = arith.constant 0 : i32
    %dma_start3A_55 = arith.constant 0 : i32
    %dma_start3A_56 = tpu.memref_slice %arg8[%dma_start3A_54, %dma_start3A_55] : memref<4x512xf32, #tpu.memory_space<vmem>> -> memref<1x512xf32, #tpu.memory_space<vmem>>
    %dma_start3A_57 = tpu.memref_squeeze %dma_start3A_56 : memref<1x512xf32, #tpu.memory_space<vmem>> -> memref<512xf32, #tpu.memory_space<vmem>>
    %dma_start3A_58 = arith.constant 384 : i32
    %dma_start3A_59 = tpu.memref_slice %dma_start3A_57[%dma_start3A_58] : memref<512xf32, #tpu.memory_space<vmem>> -> memref<128xf32, #tpu.memory_space<vmem>>
    %dma_start3A_60 = arith.constant 0 : i32
    %dma_start3A_61 = tpu.memref_slice %arg7[%dma_start3A_53, %dma_start3A_60] : memref<4x128xi32, #tpu.memory_space<vmem>> -> memref<1x128xi32, #tpu.memory_space<vmem>>
    %dma_start3A_62 = tpu.memref_squeeze %dma_start3A_61 : memref<1x128xi32, #tpu.memory_space<vmem>> -> memref<128xi32, #tpu.memory_space<vmem>>
    %dma_start3A_63 = arith.constant 0 : i32
    %dma_start3A_64 = tpu.memref_slice %arg2[%dma_start3A_52, %dma_start3A_63] : memref<4x100000xf32, #tpu.memory_space<hbm>> -> memref<1x100000xf32, #tpu.memory_space<hbm>>
    %dma_start3A_65 = tpu.memref_squeeze %dma_start3A_64 : memref<1x100000xf32, #tpu.memory_space<hbm>> -> memref<100000xf32, #tpu.memory_space<hbm>>
    %dma_start3A_66 = arith.constant 0 : i32
    %dma_start3A_67 = tpu.memref_slice %dma_start3A_65[%dma_start3A_66] : memref<100000xf32, #tpu.memory_space<hbm>> -> memref<100000xf32, #tpu.memory_space<hbm>>
    tpu.enqueue_indirect_dma source(%dma_start3A_67 : memref<100000xf32, #tpu.memory_space<hbm>>) target(%dma_start3A_59 : memref<128xf32, #tpu.memory_space<vmem>>) offsets(%dma_start3A_62 : memref<128xi32, #tpu.memory_space<vmem>>) semaphore(%arg10 : memref<!tpu.dma_semaphore, #tpu.memory_space<semaphore_mem>>)
    %dma_start3A_68 = arith.constant 1 : i32
    %dma_start3A_69 = arith.constant 0 : i32
    %dma_start3A_70 = arith.constant 1 : i32
    %dma_start3A_71 = arith.constant 0 : i32
    %dma_start3A_72 = tpu.memref_slice %arg8[%dma_start3A_70, %dma_start3A_71] : memref<4x512xf32, #tpu.memory_space<vmem>> -> memref<1x512xf32, #tpu.memory_space<vmem>>
    %dma_start3A_73 = tpu.memref_squeeze %dma_start3A_72 : memref<1x512xf32, #tpu.memory_space<vmem>> -> memref<512xf32, #tpu.memory_space<vmem>>
    %dma_start3A_74 = arith.constant 0 : i32
    %dma_start3A_75 = tpu.memref_slice %dma_start3A_73[%dma_start3A_74] : memref<512xf32, #tpu.memory_space<vmem>> -> memref<128xf32, #tpu.memory_space<vmem>>
    %dma_start3A_76 = arith.constant 0 : i32
    %dma_start3A_77 = tpu.memref_slice %arg7[%dma_start3A_69, %dma_start3A_76] : memref<4x128xi32, #tpu.memory_space<vmem>> -> memref<1x128xi32, #tpu.memory_space<vmem>>
    %dma_start3A_78 = tpu.memref_squeeze %dma_start3A_77 : memref<1x128xi32, #tpu.memory_space<vmem>> -> memref<128xi32, #tpu.memory_space<vmem>>
    %dma_start3A_79 = arith.constant 0 : i32
    %dma_start3A_80 = tpu.memref_slice %arg2[%dma_start3A_68, %dma_start3A_79] : memref<4x100000xf32, #tpu.memory_space<hbm>> -> memref<1x100000xf32, #tpu.memory_space<hbm>>
    %dma_start3A_81 = tpu.memref_squeeze %dma_start3A_80 : memref<1x100000xf32, #tpu.memory_space<hbm>> -> memref<100000xf32, #tpu.memory_space<hbm>>
    %dma_start3A_82 = arith.constant 0 : i32
    %dma_start3A_83 = tpu.memref_slice %dma_start3A_81[%dma_start3A_82] : memref<100000xf32, #tpu.memory_space<hbm>> -> memref<100000xf32, #tpu.memory_space<hbm>>
    tpu.enqueue_indirect_dma source(%dma_start3A_83 : memref<100000xf32, #tpu.memory_space<hbm>>) target(%dma_start3A_75 : memref<128xf32, #tpu.memory_space<vmem>>) offsets(%dma_start3A_78 : memref<128xi32, #tpu.memory_space<vmem>>) semaphore(%arg10 : memref<!tpu.dma_semaphore, #tpu.memory_space<semaphore_mem>>)
    %dma_start3A_84 = arith.constant 1 : i32
    %dma_start3A_85 = arith.constant 1 : i32
    %dma_start3A_86 = arith.constant 1 : i32
    %dma_start3A_87 = arith.constant 0 : i32
    %dma_start3A_88 = tpu.memref_slice %arg8[%dma_start3A_86, %dma_start3A_87] : memref<4x512xf32, #tpu.memory_space<vmem>> -> memref<1x512xf32, #tpu.memory_space<vmem>>
    %dma_start3A_89 = tpu.memref_squeeze %dma_start3A_88 : memref<1x512xf32, #tpu.memory_space<vmem>> -> memref<512xf32, #tpu.memory_space<vmem>>
    %dma_start3A_90 = arith.constant 128 : i32
    %dma_start3A_91 = tpu.memref_slice %dma_start3A_89[%dma_start3A_90] : memref<512xf32, #tpu.memory_space<vmem>> -> memref<128xf32, #tpu.memory_space<vmem>>
    %dma_start3A_92 = arith.constant 0 : i32
    %dma_start3A_93 = tpu.memref_slice %arg7[%dma_start3A_85, %dma_start3A_92] : memref<4x128xi32, #tpu.memory_space<vmem>> -> memref<1x128xi32, #tpu.memory_space<vmem>>
    %dma_start3A_94 = tpu.memref_squeeze %dma_start3A_93 : memref<1x128xi32, #tpu.memory_space<vmem>> -> memref<128xi32, #tpu.memory_space<vmem>>
    %dma_start3A_95 = arith.constant 0 : i32
    %dma_start3A_96 = tpu.memref_slice %arg2[%dma_start3A_84, %dma_start3A_95] : memref<4x100000xf32, #tpu.memory_space<hbm>> -> memref<1x100000xf32, #tpu.memory_space<hbm>>
    %dma_start3A_97 = tpu.memref_squeeze %dma_start3A_96 : memref<1x100000xf32, #tpu.memory_space<hbm>> -> memref<100000xf32, #tpu.memory_space<hbm>>
    %dma_start3A_98 = arith.constant 0 : i32
    %dma_start3A_99 = tpu.memref_slice %dma_start3A_97[%dma_start3A_98] : memref<100000xf32, #tpu.memory_space<hbm>> -> memref<100000xf32, #tpu.memory_space<hbm>>
    tpu.enqueue_indirect_dma source(%dma_start3A_99 : memref<100000xf32, #tpu.memory_space<hbm>>) target(%dma_start3A_91 : memref<128xf32, #tpu.memory_space<vmem>>) offsets(%dma_start3A_94 : memref<128xi32, #tpu.memory_space<vmem>>) semaphore(%arg10 : memref<!tpu.dma_semaphore, #tpu.memory_space<semaphore_mem>>)
    %dma_start3A_100 = arith.constant 1 : i32
    %dma_start3A_101 = arith.constant 2 : i32
    %dma_start3A_102 = arith.constant 1 : i32
    %dma_start3A_103 = arith.constant 0 : i32
    %dma_start3A_104 = tpu.memref_slice %arg8[%dma_start3A_102, %dma_start3A_103] : memref<4x512xf32, #tpu.memory_space<vmem>> -> memref<1x512xf32, #tpu.memory_space<vmem>>
    %dma_start3A_105 = tpu.memref_squeeze %dma_start3A_104 : memref<1x512xf32, #tpu.memory_space<vmem>> -> memref<512xf32, #tpu.memory_space<vmem>>
    %dma_start3A_106 = arith.constant 256 : i32
    %dma_start3A_107 = tpu.memref_slice %dma_start3A_105[%dma_start3A_106] : memref<512xf32, #tpu.memory_space<vmem>> -> memref<128xf32, #tpu.memory_space<vmem>>
    %dma_start3A_108 = arith.constant 0 : i32
    %dma_start3A_109 = tpu.memref_slice %arg7[%dma_start3A_101, %dma_start3A_108] : memref<4x128xi32, #tpu.memory_space<vmem>> -> memref<1x128xi32, #tpu.memory_space<vmem>>
    %dma_start3A_110 = tpu.memref_squeeze %dma_start3A_109 : memref<1x128xi32, #tpu.memory_space<vmem>> -> memref<128xi32, #tpu.memory_space<vmem>>
    %dma_start3A_111 = arith.constant 0 : i32
    %dma_start3A_112 = tpu.memref_slice %arg2[%dma_start3A_100, %dma_start3A_111] : memref<4x100000xf32, #tpu.memory_space<hbm>> -> memref<1x100000xf32, #tpu.memory_space<hbm>>
    %dma_start3A_113 = tpu.memref_squeeze %dma_start3A_112 : memref<1x100000xf32, #tpu.memory_space<hbm>> -> memref<100000xf32, #tpu.memory_space<hbm>>
    %dma_start3A_114 = arith.constant 0 : i32
    %dma_start3A_115 = tpu.memref_slice %dma_start3A_113[%dma_start3A_114] : memref<100000xf32, #tpu.memory_space<hbm>> -> memref<100000xf32, #tpu.memory_space<hbm>>
    tpu.enqueue_indirect_dma source(%dma_start3A_115 : memref<100000xf32, #tpu.memory_space<hbm>>) target(%dma_start3A_107 : memref<128xf32, #tpu.memory_space<vmem>>) offsets(%dma_start3A_110 : memref<128xi32, #tpu.memory_space<vmem>>) semaphore(%arg10 : memref<!tpu.dma_semaphore, #tpu.memory_space<semaphore_mem>>)
    %dma_start3A_116 = arith.constant 1 : i32
    %dma_start3A_117 = arith.constant 3 : i32
    %dma_start3A_118 = arith.constant 1 : i32
    %dma_start3A_119 = arith.constant 0 : i32
    %dma_start3A_120 = tpu.memref_slice %arg8[%dma_start3A_118, %dma_start3A_119] : memref<4x512xf32, #tpu.memory_space<vmem>> -> memref<1x512xf32, #tpu.memory_space<vmem>>
    %dma_start3A_121 = tpu.memref_squeeze %dma_start3A_120 : memref<1x512xf32, #tpu.memory_space<vmem>> -> memref<512xf32, #tpu.memory_space<vmem>>
    %dma_start3A_122 = arith.constant 384 : i32
    %dma_start3A_123 = tpu.memref_slice %dma_start3A_121[%dma_start3A_122] : memref<512xf32, #tpu.memory_space<vmem>> -> memref<128xf32, #tpu.memory_space<vmem>>
    %dma_start3A_124 = arith.constant 0 : i32
    %dma_start3A_125 = tpu.memref_slice %arg7[%dma_start3A_117, %dma_start3A_124] : memref<4x128xi32, #tpu.memory_space<vmem>> -> memref<1x128xi32, #tpu.memory_space<vmem>>
    %dma_start3A_126 = tpu.memref_squeeze %dma_start3A_125 : memref<1x128xi32, #tpu.memory_space<vmem>> -> memref<128xi32, #tpu.memory_space<vmem>>
    %dma_start3A_127 = arith.constant 0 : i32
    %dma_start3A_128 = tpu.memref_slice %arg2[%dma_start3A_116, %dma_start3A_127] : memref<4x100000xf32, #tpu.memory_space<hbm>> -> memref<1x100000xf32, #tpu.memory_space<hbm>>
    %dma_start3A_129 = tpu.memref_squeeze %dma_start3A_128 : memref<1x100000xf32, #tpu.memory_space<hbm>> -> memref<100000xf32, #tpu.memory_space<hbm>>
    %dma_start3A_130 = arith.constant 0 : i32
    %dma_start3A_131 = tpu.memref_slice %dma_start3A_129[%dma_start3A_130] : memref<100000xf32, #tpu.memory_space<hbm>> -> memref<100000xf32, #tpu.memory_space<hbm>>
    tpu.enqueue_indirect_dma source(%dma_start3A_131 : memref<100000xf32, #tpu.memory_space<hbm>>) target(%dma_start3A_123 : memref<128xf32, #tpu.memory_space<vmem>>) offsets(%dma_start3A_126 : memref<128xi32, #tpu.memory_space<vmem>>) semaphore(%arg10 : memref<!tpu.dma_semaphore, #tpu.memory_space<semaphore_mem>>)
    %dma_start3A_132 = arith.constant 2 : i32
    %dma_start3A_133 = arith.constant 0 : i32
    %dma_start3A_134 = arith.constant 2 : i32
    %dma_start3A_135 = arith.constant 0 : i32
    %dma_start3A_136 = tpu.memref_slice %arg8[%dma_start3A_134, %dma_start3A_135] : memref<4x512xf32, #tpu.memory_space<vmem>> -> memref<1x512xf32, #tpu.memory_space<vmem>>
    %dma_start3A_137 = tpu.memref_squeeze %dma_start3A_136 : memref<1x512xf32, #tpu.memory_space<vmem>> -> memref<512xf32, #tpu.memory_space<vmem>>
    %dma_start3A_138 = arith.constant 0 : i32
    %dma_start3A_139 = tpu.memref_slice %dma_start3A_137[%dma_start3A_138] : memref<512xf32, #tpu.memory_space<vmem>> -> memref<128xf32, #tpu.memory_space<vmem>>
    %dma_start3A_140 = arith.constant 0 : i32
    %dma_start3A_141 = tpu.memref_slice %arg7[%dma_start3A_133, %dma_start3A_140] : memref<4x128xi32, #tpu.memory_space<vmem>> -> memref<1x128xi32, #tpu.memory_space<vmem>>
    %dma_start3A_142 = tpu.memref_squeeze %dma_start3A_141 : memref<1x128xi32, #tpu.memory_space<vmem>> -> memref<128xi32, #tpu.memory_space<vmem>>
    %dma_start3A_143 = arith.constant 0 : i32
    %dma_start3A_144 = tpu.memref_slice %arg2[%dma_start3A_132, %dma_start3A_143] : memref<4x100000xf32, #tpu.memory_space<hbm>> -> memref<1x100000xf32, #tpu.memory_space<hbm>>
    %dma_start3A_145 = tpu.memref_squeeze %dma_start3A_144 : memref<1x100000xf32, #tpu.memory_space<hbm>> -> memref<100000xf32, #tpu.memory_space<hbm>>
    %dma_start3A_146 = arith.constant 0 : i32
    %dma_start3A_147 = tpu.memref_slice %dma_start3A_145[%dma_start3A_146] : memref<100000xf32, #tpu.memory_space<hbm>> -> memref<100000xf32, #tpu.memory_space<hbm>>
    tpu.enqueue_indirect_dma source(%dma_start3A_147 : memref<100000xf32, #tpu.memory_space<hbm>>) target(%dma_start3A_139 : memref<128xf32, #tpu.memory_space<vmem>>) offsets(%dma_start3A_142 : memref<128xi32, #tpu.memory_space<vmem>>) semaphore(%arg10 : memref<!tpu.dma_semaphore, #tpu.memory_space<semaphore_mem>>)
    %dma_start3A_148 = arith.constant 2 : i32
    %dma_start3A_149 = arith.constant 1 : i32
    %dma_start3A_150 = arith.constant 2 : i32
    %dma_start3A_151 = arith.constant 0 : i32
    %dma_start3A_152 = tpu.memref_slice %arg8[%dma_start3A_150, %dma_start3A_151] : memref<4x512xf32, #tpu.memory_space<vmem>> -> memref<1x512xf32, #tpu.memory_space<vmem>>
    %dma_start3A_153 = tpu.memref_squeeze %dma_start3A_152 : memref<1x512xf32, #tpu.memory_space<vmem>> -> memref<512xf32, #tpu.memory_space<vmem>>
    %dma_start3A_154 = arith.constant 128 : i32
    %dma_start3A_155 = tpu.memref_slice %dma_start3A_153[%dma_start3A_154] : memref<512xf32, #tpu.memory_space<vmem>> -> memref<128xf32, #tpu.memory_space<vmem>>
    %dma_start3A_156 = arith.constant 0 : i32
    %dma_start3A_157 = tpu.memref_slice %arg7[%dma_start3A_149, %dma_start3A_156] : memref<4x128xi32, #tpu.memory_space<vmem>> -> memref<1x128xi32, #tpu.memory_space<vmem>>
    %dma_start3A_158 = tpu.memref_squeeze %dma_start3A_157 : memref<1x128xi32, #tpu.memory_space<vmem>> -> memref<128xi32, #tpu.memory_space<vmem>>
    %dma_start3A_159 = arith.constant 0 : i32
    %dma_start3A_160 = tpu.memref_slice %arg2[%dma_start3A_148, %dma_start3A_159] : memref<4x100000xf32, #tpu.memory_space<hbm>> -> memref<1x100000xf32, #tpu.memory_space<hbm>>
    %dma_start3A_161 = tpu.memref_squeeze %dma_start3A_160 : memref<1x100000xf32, #tpu.memory_space<hbm>> -> memref<100000xf32, #tpu.memory_space<hbm>>
    %dma_start3A_162 = arith.constant 0 : i32
    %dma_start3A_163 = tpu.memref_slice %dma_start3A_161[%dma_start3A_162] : memref<100000xf32, #tpu.memory_space<hbm>> -> memref<100000xf32, #tpu.memory_space<hbm>>
    tpu.enqueue_indirect_dma source(%dma_start3A_163 : memref<100000xf32, #tpu.memory_space<hbm>>) target(%dma_start3A_155 : memref<128xf32, #tpu.memory_space<vmem>>) offsets(%dma_start3A_158 : memref<128xi32, #tpu.memory_space<vmem>>) semaphore(%arg10 : memref<!tpu.dma_semaphore, #tpu.memory_space<semaphore_mem>>)
    %dma_start3A_164 = arith.constant 2 : i32
    %dma_start3A_165 = arith.constant 2 : i32
    %dma_start3A_166 = arith.constant 2 : i32
    %dma_start3A_167 = arith.constant 0 : i32
    %dma_start3A_168 = tpu.memref_slice %arg8[%dma_start3A_166, %dma_start3A_167] : memref<4x512xf32, #tpu.memory_space<vmem>> -> memref<1x512xf32, #tpu.memory_space<vmem>>
    %dma_start3A_169 = tpu.memref_squeeze %dma_start3A_168 : memref<1x512xf32, #tpu.memory_space<vmem>> -> memref<512xf32, #tpu.memory_space<vmem>>
    %dma_start3A_170 = arith.constant 256 : i32
    %dma_start3A_171 = tpu.memref_slice %dma_start3A_169[%dma_start3A_170] : memref<512xf32, #tpu.memory_space<vmem>> -> memref<128xf32, #tpu.memory_space<vmem>>
    %dma_start3A_172 = arith.constant 0 : i32
    %dma_start3A_173 = tpu.memref_slice %arg7[%dma_start3A_165, %dma_start3A_172] : memref<4x128xi32, #tpu.memory_space<vmem>> -> memref<1x128xi32, #tpu.memory_space<vmem>>
    %dma_start3A_174 = tpu.memref_squeeze %dma_start3A_173 : memref<1x128xi32, #tpu.memory_space<vmem>> -> memref<128xi32, #tpu.memory_space<vmem>>
    %dma_start3A_175 = arith.constant 0 : i32
    %dma_start3A_176 = tpu.memref_slice %arg2[%dma_start3A_164, %dma_start3A_175] : memref<4x100000xf32, #tpu.memory_space<hbm>> -> memref<1x100000xf32, #tpu.memory_space<hbm>>
    %dma_start3A_177 = tpu.memref_squeeze %dma_start3A_176 : memref<1x100000xf32, #tpu.memory_space<hbm>> -> memref<100000xf32, #tpu.memory_space<hbm>>
    %dma_start3A_178 = arith.constant 0 : i32
    %dma_start3A_179 = tpu.memref_slice %dma_start3A_177[%dma_start3A_178] : memref<100000xf32, #tpu.memory_space<hbm>> -> memref<100000xf32, #tpu.memory_space<hbm>>
    tpu.enqueue_indirect_dma source(%dma_start3A_179 : memref<100000xf32, #tpu.memory_space<hbm>>) target(%dma_start3A_171 : memref<128xf32, #tpu.memory_space<vmem>>) offsets(%dma_start3A_174 : memref<128xi32, #tpu.memory_space<vmem>>) semaphore(%arg10 : memref<!tpu.dma_semaphore, #tpu.memory_space<semaphore_mem>>)
    %dma_start3A_180 = arith.constant 2 : i32
    %dma_start3A_181 = arith.constant 3 : i32
    %dma_start3A_182 = arith.constant 2 : i32
    %dma_start3A_183 = arith.constant 0 : i32
    %dma_start3A_184 = tpu.memref_slice %arg8[%dma_start3A_182, %dma_start3A_183] : memref<4x512xf32, #tpu.memory_space<vmem>> -> memref<1x512xf32, #tpu.memory_space<vmem>>
    %dma_start3A_185 = tpu.memref_squeeze %dma_start3A_184 : memref<1x512xf32, #tpu.memory_space<vmem>> -> memref<512xf32, #tpu.memory_space<vmem>>
    %dma_start3A_186 = arith.constant 384 : i32
    %dma_start3A_187 = tpu.memref_slice %dma_start3A_185[%dma_start3A_186] : memref<512xf32, #tpu.memory_space<vmem>> -> memref<128xf32, #tpu.memory_space<vmem>>
    %dma_start3A_188 = arith.constant 0 : i32
    %dma_start3A_189 = tpu.memref_slice %arg7[%dma_start3A_181, %dma_start3A_188] : memref<4x128xi32, #tpu.memory_space<vmem>> -> memref<1x128xi32, #tpu.memory_space<vmem>>
    %dma_start3A_190 = tpu.memref_squeeze %dma_start3A_189 : memref<1x128xi32, #tpu.memory_space<vmem>> -> memref<128xi32, #tpu.memory_space<vmem>>
    %dma_start3A_191 = arith.constant 0 : i32
    %dma_start3A_192 = tpu.memref_slice %arg2[%dma_start3A_180, %dma_start3A_191] : memref<4x100000xf32, #tpu.memory_space<hbm>> -> memref<1x100000xf32, #tpu.memory_space<hbm>>
    %dma_start3A_193 = tpu.memref_squeeze %dma_start3A_192 : memref<1x100000xf32, #tpu.memory_space<hbm>> -> memref<100000xf32, #tpu.memory_space<hbm>>
    %dma_start3A_194 = arith.constant 0 : i32
    %dma_start3A_195 = tpu.memref_slice %dma_start3A_193[%dma_start3A_194] : memref<100000xf32, #tpu.memory_space<hbm>> -> memref<100000xf32, #tpu.memory_space<hbm>>
    tpu.enqueue_indirect_dma source(%dma_start3A_195 : memref<100000xf32, #tpu.memory_space<hbm>>) target(%dma_start3A_187 : memref<128xf32, #tpu.memory_space<vmem>>) offsets(%dma_start3A_190 : memref<128xi32, #tpu.memory_space<vmem>>) semaphore(%arg10 : memref<!tpu.dma_semaphore, #tpu.memory_space<semaphore_mem>>)
    %dma_start3A_196 = arith.constant 3 : i32
    %dma_start3A_197 = arith.constant 0 : i32
    %dma_start3A_198 = arith.constant 3 : i32
    %dma_start3A_199 = arith.constant 0 : i32
    %dma_start3A_200 = tpu.memref_slice %arg8[%dma_start3A_198, %dma_start3A_199] : memref<4x512xf32, #tpu.memory_space<vmem>> -> memref<1x512xf32, #tpu.memory_space<vmem>>
    %dma_start3A_201 = tpu.memref_squeeze %dma_start3A_200 : memref<1x512xf32, #tpu.memory_space<vmem>> -> memref<512xf32, #tpu.memory_space<vmem>>
    %dma_start3A_202 = arith.constant 0 : i32
    %dma_start3A_203 = tpu.memref_slice %dma_start3A_201[%dma_start3A_202] : memref<512xf32, #tpu.memory_space<vmem>> -> memref<128xf32, #tpu.memory_space<vmem>>
    %dma_start3A_204 = arith.constant 0 : i32
    %dma_start3A_205 = tpu.memref_slice %arg7[%dma_start3A_197, %dma_start3A_204] : memref<4x128xi32, #tpu.memory_space<vmem>> -> memref<1x128xi32, #tpu.memory_space<vmem>>
    %dma_start3A_206 = tpu.memref_squeeze %dma_start3A_205 : memref<1x128xi32, #tpu.memory_space<vmem>> -> memref<128xi32, #tpu.memory_space<vmem>>
    %dma_start3A_207 = arith.constant 0 : i32
    %dma_start3A_208 = tpu.memref_slice %arg2[%dma_start3A_196, %dma_start3A_207] : memref<4x100000xf32, #tpu.memory_space<hbm>> -> memref<1x100000xf32, #tpu.memory_space<hbm>>
    %dma_start3A_209 = tpu.memref_squeeze %dma_start3A_208 : memref<1x100000xf32, #tpu.memory_space<hbm>> -> memref<100000xf32, #tpu.memory_space<hbm>>
    %dma_start3A_210 = arith.constant 0 : i32
    %dma_start3A_211 = tpu.memref_slice %dma_start3A_209[%dma_start3A_210] : memref<100000xf32, #tpu.memory_space<hbm>> -> memref<100000xf32, #tpu.memory_space<hbm>>
    tpu.enqueue_indirect_dma source(%dma_start3A_211 : memref<100000xf32, #tpu.memory_space<hbm>>) target(%dma_start3A_203 : memref<128xf32, #tpu.memory_space<vmem>>) offsets(%dma_start3A_206 : memref<128xi32, #tpu.memory_space<vmem>>) semaphore(%arg10 : memref<!tpu.dma_semaphore, #tpu.memory_space<semaphore_mem>>)
    %dma_start3A_212 = arith.constant 3 : i32
    %dma_start3A_213 = arith.constant 1 : i32
    %dma_start3A_214 = arith.constant 3 : i32
    %dma_start3A_215 = arith.constant 0 : i32
    %dma_start3A_216 = tpu.memref_slice %arg8[%dma_start3A_214, %dma_start3A_215] : memref<4x512xf32, #tpu.memory_space<vmem>> -> memref<1x512xf32, #tpu.memory_space<vmem>>
    %dma_start3A_217 = tpu.memref_squeeze %dma_start3A_216 : memref<1x512xf32, #tpu.memory_space<vmem>> -> memref<512xf32, #tpu.memory_space<vmem>>
    %dma_start3A_218 = arith.constant 128 : i32
    %dma_start3A_219 = tpu.memref_slice %dma_start3A_217[%dma_start3A_218] : memref<512xf32, #tpu.memory_space<vmem>> -> memref<128xf32, #tpu.memory_space<vmem>>
    %dma_start3A_220 = arith.constant 0 : i32
    %dma_start3A_221 = tpu.memref_slice %arg7[%dma_start3A_213, %dma_start3A_220] : memref<4x128xi32, #tpu.memory_space<vmem>> -> memref<1x128xi32, #tpu.memory_space<vmem>>
    %dma_start3A_222 = tpu.memref_squeeze %dma_start3A_221 : memref<1x128xi32, #tpu.memory_space<vmem>> -> memref<128xi32, #tpu.memory_space<vmem>>
    %dma_start3A_223 = arith.constant 0 : i32
    %dma_start3A_224 = tpu.memref_slice %arg2[%dma_start3A_212, %dma_start3A_223] : memref<4x100000xf32, #tpu.memory_space<hbm>> -> memref<1x100000xf32, #tpu.memory_space<hbm>>
    %dma_start3A_225 = tpu.memref_squeeze %dma_start3A_224 : memref<1x100000xf32, #tpu.memory_space<hbm>> -> memref<100000xf32, #tpu.memory_space<hbm>>
    %dma_start3A_226 = arith.constant 0 : i32
    %dma_start3A_227 = tpu.memref_slice %dma_start3A_225[%dma_start3A_226] : memref<100000xf32, #tpu.memory_space<hbm>> -> memref<100000xf32, #tpu.memory_space<hbm>>
    tpu.enqueue_indirect_dma source(%dma_start3A_227 : memref<100000xf32, #tpu.memory_space<hbm>>) target(%dma_start3A_219 : memref<128xf32, #tpu.memory_space<vmem>>) offsets(%dma_start3A_222 : memref<128xi32, #tpu.memory_space<vmem>>) semaphore(%arg10 : memref<!tpu.dma_semaphore, #tpu.memory_space<semaphore_mem>>)
    %dma_start3A_228 = arith.constant 3 : i32
    %dma_start3A_229 = arith.constant 2 : i32
    %dma_start3A_230 = arith.constant 3 : i32
    %dma_start3A_231 = arith.constant 0 : i32
    %dma_start3A_232 = tpu.memref_slice %arg8[%dma_start3A_230, %dma_start3A_231] : memref<4x512xf32, #tpu.memory_space<vmem>> -> memref<1x512xf32, #tpu.memory_space<vmem>>
    %dma_start3A_233 = tpu.memref_squeeze %dma_start3A_232 : memref<1x512xf32, #tpu.memory_space<vmem>> -> memref<512xf32, #tpu.memory_space<vmem>>
    %dma_start3A_234 = arith.constant 256 : i32
    %dma_start3A_235 = tpu.memref_slice %dma_start3A_233[%dma_start3A_234] : memref<512xf32, #tpu.memory_space<vmem>> -> memref<128xf32, #tpu.memory_space<vmem>>
    %dma_start3A_236 = arith.constant 0 : i32
    %dma_start3A_237 = tpu.memref_slice %arg7[%dma_start3A_229, %dma_start3A_236] : memref<4x128xi32, #tpu.memory_space<vmem>> -> memref<1x128xi32, #tpu.memory_space<vmem>>
    %dma_start3A_238 = tpu.memref_squeeze %dma_start3A_237 : memref<1x128xi32, #tpu.memory_space<vmem>> -> memref<128xi32, #tpu.memory_space<vmem>>
    %dma_start3A_239 = arith.constant 0 : i32
    %dma_start3A_240 = tpu.memref_slice %arg2[%dma_start3A_228, %dma_start3A_239] : memref<4x100000xf32, #tpu.memory_space<hbm>> -> memref<1x100000xf32, #tpu.memory_space<hbm>>
    %dma_start3A_241 = tpu.memref_squeeze %dma_start3A_240 : memref<1x100000xf32, #tpu.memory_space<hbm>> -> memref<100000xf32, #tpu.memory_space<hbm>>
    %dma_start3A_242 = arith.constant 0 : i32
    %dma_start3A_243 = tpu.memref_slice %dma_start3A_241[%dma_start3A_242] : memref<100000xf32, #tpu.memory_space<hbm>> -> memref<100000xf32, #tpu.memory_space<hbm>>
    tpu.enqueue_indirect_dma source(%dma_start3A_243 : memref<100000xf32, #tpu.memory_space<hbm>>) target(%dma_start3A_235 : memref<128xf32, #tpu.memory_space<vmem>>) offsets(%dma_start3A_238 : memref<128xi32, #tpu.memory_space<vmem>>) semaphore(%arg10 : memref<!tpu.dma_semaphore, #tpu.memory_space<semaphore_mem>>)
    %dma_start3A_244 = arith.constant 3 : i32
    %dma_start3A_245 = arith.constant 3 : i32
    %dma_start3A_246 = arith.constant 3 : i32
    %dma_start3A_247 = arith.constant 0 : i32
    %dma_start3A_248 = tpu.memref_slice %arg8[%dma_start3A_246, %dma_start3A_247] : memref<4x512xf32, #tpu.memory_space<vmem>> -> memref<1x512xf32, #tpu.memory_space<vmem>>
    %dma_start3A_249 = tpu.memref_squeeze %dma_start3A_248 : memref<1x512xf32, #tpu.memory_space<vmem>> -> memref<512xf32, #tpu.memory_space<vmem>>
    %dma_start3A_250 = arith.constant 384 : i32
    %dma_start3A_251 = tpu.memref_slice %dma_start3A_249[%dma_start3A_250] : memref<512xf32, #tpu.memory_space<vmem>> -> memref<128xf32, #tpu.memory_space<vmem>>
    %dma_start3A_252 = arith.constant 0 : i32
    %dma_start3A_253 = tpu.memref_slice %arg7[%dma_start3A_245, %dma_start3A_252] : memref<4x128xi32, #tpu.memory_space<vmem>> -> memref<1x128xi32, #tpu.memory_space<vmem>>
    %dma_start3A_254 = tpu.memref_squeeze %dma_start3A_253 : memref<1x128xi32, #tpu.memory_space<vmem>> -> memref<128xi32, #tpu.memory_space<vmem>>
    %dma_start3A_255 = arith.constant 0 : i32
    %dma_start3A_256 = tpu.memref_slice %arg2[%dma_start3A_244, %dma_start3A_255] : memref<4x100000xf32, #tpu.memory_space<hbm>> -> memref<1x100000xf32, #tpu.memory_space<hbm>>
    %dma_start3A_257 = tpu.memref_squeeze %dma_start3A_256 : memref<1x100000xf32, #tpu.memory_space<hbm>> -> memref<100000xf32, #tpu.memory_space<hbm>>
    %dma_start3A_258 = arith.constant 0 : i32
    %dma_start3A_259 = tpu.memref_slice %dma_start3A_257[%dma_start3A_258] : memref<100000xf32, #tpu.memory_space<hbm>> -> memref<100000xf32, #tpu.memory_space<hbm>>
    tpu.enqueue_indirect_dma source(%dma_start3A_259 : memref<100000xf32, #tpu.memory_space<hbm>>) target(%dma_start3A_251 : memref<128xf32, #tpu.memory_space<vmem>>) offsets(%dma_start3A_254 : memref<128xi32, #tpu.memory_space<vmem>>) semaphore(%arg10 : memref<!tpu.dma_semaphore, #tpu.memory_space<semaphore_mem>>)
    %dma_start3A_260 = arith.constant 0 : i32
    %dma_start3A_261 = arith.constant 0 : i32
    %dma_start3A_262 = arith.constant 0 : i32
    %dma_start3A_263 = arith.constant 0 : i32
    %dma_start3A_264 = tpu.memref_slice %arg9[%dma_start3A_262, %dma_start3A_263] : memref<3x512xf32, #tpu.memory_space<vmem>> -> memref<1x512xf32, #tpu.memory_space<vmem>>
    %dma_start3A_265 = tpu.memref_squeeze %dma_start3A_264 : memref<1x512xf32, #tpu.memory_space<vmem>> -> memref<512xf32, #tpu.memory_space<vmem>>
    %dma_start3A_266 = arith.constant 0 : i32
    %dma_start3A_267 = tpu.memref_slice %dma_start3A_265[%dma_start3A_266] : memref<512xf32, #tpu.memory_space<vmem>> -> memref<128xf32, #tpu.memory_space<vmem>>
    %dma_start3A_268 = arith.constant 0 : i32
    %dma_start3A_269 = tpu.memref_slice %arg7[%dma_start3A_261, %dma_start3A_268] : memref<4x128xi32, #tpu.memory_space<vmem>> -> memref<1x128xi32, #tpu.memory_space<vmem>>
    %dma_start3A_270 = tpu.memref_squeeze %dma_start3A_269 : memref<1x128xi32, #tpu.memory_space<vmem>> -> memref<128xi32, #tpu.memory_space<vmem>>
    %dma_start3A_271 = arith.constant 0 : i32
    %dma_start3A_272 = tpu.memref_slice %arg3[%dma_start3A_260, %dma_start3A_271] : memref<3x100000xf32, #tpu.memory_space<hbm>> -> memref<1x100000xf32, #tpu.memory_space<hbm>>
    %dma_start3A_273 = tpu.memref_squeeze %dma_start3A_272 : memref<1x100000xf32, #tpu.memory_space<hbm>> -> memref<100000xf32, #tpu.memory_space<hbm>>
    %dma_start3A_274 = arith.constant 0 : i32
    %dma_start3A_275 = tpu.memref_slice %dma_start3A_273[%dma_start3A_274] : memref<100000xf32, #tpu.memory_space<hbm>> -> memref<100000xf32, #tpu.memory_space<hbm>>
    tpu.enqueue_indirect_dma source(%dma_start3A_275 : memref<100000xf32, #tpu.memory_space<hbm>>) target(%dma_start3A_267 : memref<128xf32, #tpu.memory_space<vmem>>) offsets(%dma_start3A_270 : memref<128xi32, #tpu.memory_space<vmem>>) semaphore(%arg11 : memref<!tpu.dma_semaphore, #tpu.memory_space<semaphore_mem>>)
    %dma_start3A_276 = arith.constant 0 : i32
    %dma_start3A_277 = arith.constant 1 : i32
    %dma_start3A_278 = arith.constant 0 : i32
    %dma_start3A_279 = arith.constant 0 : i32
    %dma_start3A_280 = tpu.memref_slice %arg9[%dma_start3A_278, %dma_start3A_279] : memref<3x512xf32, #tpu.memory_space<vmem>> -> memref<1x512xf32, #tpu.memory_space<vmem>>
    %dma_start3A_281 = tpu.memref_squeeze %dma_start3A_280 : memref<1x512xf32, #tpu.memory_space<vmem>> -> memref<512xf32, #tpu.memory_space<vmem>>
    %dma_start3A_282 = arith.constant 128 : i32
    %dma_start3A_283 = tpu.memref_slice %dma_start3A_281[%dma_start3A_282] : memref<512xf32, #tpu.memory_space<vmem>> -> memref<128xf32, #tpu.memory_space<vmem>>
    %dma_start3A_284 = arith.constant 0 : i32
    %dma_start3A_285 = tpu.memref_slice %arg7[%dma_start3A_277, %dma_start3A_284] : memref<4x128xi32, #tpu.memory_space<vmem>> -> memref<1x128xi32, #tpu.memory_space<vmem>>
    %dma_start3A_286 = tpu.memref_squeeze %dma_start3A_285 : memref<1x128xi32, #tpu.memory_space<vmem>> -> memref<128xi32, #tpu.memory_space<vmem>>
    %dma_start3A_287 = arith.constant 0 : i32
    %dma_start3A_288 = tpu.memref_slice %arg3[%dma_start3A_276, %dma_start3A_287] : memref<3x100000xf32, #tpu.memory_space<hbm>> -> memref<1x100000xf32, #tpu.memory_space<hbm>>
    %dma_start3A_289 = tpu.memref_squeeze %dma_start3A_288 : memref<1x100000xf32, #tpu.memory_space<hbm>> -> memref<100000xf32, #tpu.memory_space<hbm>>
    %dma_start3A_290 = arith.constant 0 : i32
    %dma_start3A_291 = tpu.memref_slice %dma_start3A_289[%dma_start3A_290] : memref<100000xf32, #tpu.memory_space<hbm>> -> memref<100000xf32, #tpu.memory_space<hbm>>
    tpu.enqueue_indirect_dma source(%dma_start3A_291 : memref<100000xf32, #tpu.memory_space<hbm>>) target(%dma_start3A_283 : memref<128xf32, #tpu.memory_space<vmem>>) offsets(%dma_start3A_286 : memref<128xi32, #tpu.memory_space<vmem>>) semaphore(%arg11 : memref<!tpu.dma_semaphore, #tpu.memory_space<semaphore_mem>>)
    %dma_start3A_292 = arith.constant 0 : i32
    %dma_start3A_293 = arith.constant 2 : i32
    %dma_start3A_294 = arith.constant 0 : i32
    %dma_start3A_295 = arith.constant 0 : i32
    %dma_start3A_296 = tpu.memref_slice %arg9[%dma_start3A_294, %dma_start3A_295] : memref<3x512xf32, #tpu.memory_space<vmem>> -> memref<1x512xf32, #tpu.memory_space<vmem>>
    %dma_start3A_297 = tpu.memref_squeeze %dma_start3A_296 : memref<1x512xf32, #tpu.memory_space<vmem>> -> memref<512xf32, #tpu.memory_space<vmem>>
    %dma_start3A_298 = arith.constant 256 : i32
    %dma_start3A_299 = tpu.memref_slice %dma_start3A_297[%dma_start3A_298] : memref<512xf32, #tpu.memory_space<vmem>> -> memref<128xf32, #tpu.memory_space<vmem>>
    %dma_start3A_300 = arith.constant 0 : i32
    %dma_start3A_301 = tpu.memref_slice %arg7[%dma_start3A_293, %dma_start3A_300] : memref<4x128xi32, #tpu.memory_space<vmem>> -> memref<1x128xi32, #tpu.memory_space<vmem>>
    %dma_start3A_302 = tpu.memref_squeeze %dma_start3A_301 : memref<1x128xi32, #tpu.memory_space<vmem>> -> memref<128xi32, #tpu.memory_space<vmem>>
    %dma_start3A_303 = arith.constant 0 : i32
    %dma_start3A_304 = tpu.memref_slice %arg3[%dma_start3A_292, %dma_start3A_303] : memref<3x100000xf32, #tpu.memory_space<hbm>> -> memref<1x100000xf32, #tpu.memory_space<hbm>>
    %dma_start3A_305 = tpu.memref_squeeze %dma_start3A_304 : memref<1x100000xf32, #tpu.memory_space<hbm>> -> memref<100000xf32, #tpu.memory_space<hbm>>
    %dma_start3A_306 = arith.constant 0 : i32
    %dma_start3A_307 = tpu.memref_slice %dma_start3A_305[%dma_start3A_306] : memref<100000xf32, #tpu.memory_space<hbm>> -> memref<100000xf32, #tpu.memory_space<hbm>>
    tpu.enqueue_indirect_dma source(%dma_start3A_307 : memref<100000xf32, #tpu.memory_space<hbm>>) target(%dma_start3A_299 : memref<128xf32, #tpu.memory_space<vmem>>) offsets(%dma_start3A_302 : memref<128xi32, #tpu.memory_space<vmem>>) semaphore(%arg11 : memref<!tpu.dma_semaphore, #tpu.memory_space<semaphore_mem>>)
    %dma_start3A_308 = arith.constant 0 : i32
    %dma_start3A_309 = arith.constant 3 : i32
    %dma_start3A_310 = arith.constant 0 : i32
    %dma_start3A_311 = arith.constant 0 : i32
    %dma_start3A_312 = tpu.memref_slice %arg9[%dma_start3A_310, %dma_start3A_311] : memref<3x512xf32, #tpu.memory_space<vmem>> -> memref<1x512xf32, #tpu.memory_space<vmem>>
    %dma_start3A_313 = tpu.memref_squeeze %dma_start3A_312 : memref<1x512xf32, #tpu.memory_space<vmem>> -> memref<512xf32, #tpu.memory_space<vmem>>
    %dma_start3A_314 = arith.constant 384 : i32
    %dma_start3A_315 = tpu.memref_slice %dma_start3A_313[%dma_start3A_314] : memref<512xf32, #tpu.memory_space<vmem>> -> memref<128xf32, #tpu.memory_space<vmem>>
    %dma_start3A_316 = arith.constant 0 : i32
    %dma_start3A_317 = tpu.memref_slice %arg7[%dma_start3A_309, %dma_start3A_316] : memref<4x128xi32, #tpu.memory_space<vmem>> -> memref<1x128xi32, #tpu.memory_space<vmem>>
    %dma_start3A_318 = tpu.memref_squeeze %dma_start3A_317 : memref<1x128xi32, #tpu.memory_space<vmem>> -> memref<128xi32, #tpu.memory_space<vmem>>
    %dma_start3A_319 = arith.constant 0 : i32
    %dma_start3A_320 = tpu.memref_slice %arg3[%dma_start3A_308, %dma_start3A_319] : memref<3x100000xf32, #tpu.memory_space<hbm>> -> memref<1x100000xf32, #tpu.memory_space<hbm>>
    %dma_start3A_321 = tpu.memref_squeeze %dma_start3A_320 : memref<1x100000xf32, #tpu.memory_space<hbm>> -> memref<100000xf32, #tpu.memory_space<hbm>>
    %dma_start3A_322 = arith.constant 0 : i32
    %dma_start3A_323 = tpu.memref_slice %dma_start3A_321[%dma_start3A_322] : memref<100000xf32, #tpu.memory_space<hbm>> -> memref<100000xf32, #tpu.memory_space<hbm>>
    tpu.enqueue_indirect_dma source(%dma_start3A_323 : memref<100000xf32, #tpu.memory_space<hbm>>) target(%dma_start3A_315 : memref<128xf32, #tpu.memory_space<vmem>>) offsets(%dma_start3A_318 : memref<128xi32, #tpu.memory_space<vmem>>) semaphore(%arg11 : memref<!tpu.dma_semaphore, #tpu.memory_space<semaphore_mem>>)
    %dma_start3A_324 = arith.constant 1 : i32
    %dma_start3A_325 = arith.constant 0 : i32
    %dma_start3A_326 = arith.constant 1 : i32
    %dma_start3A_327 = arith.constant 0 : i32
    %dma_start3A_328 = tpu.memref_slice %arg9[%dma_start3A_326, %dma_start3A_327] : memref<3x512xf32, #tpu.memory_space<vmem>> -> memref<1x512xf32, #tpu.memory_space<vmem>>
    %dma_start3A_329 = tpu.memref_squeeze %dma_start3A_328 : memref<1x512xf32, #tpu.memory_space<vmem>> -> memref<512xf32, #tpu.memory_space<vmem>>
    %dma_start3A_330 = arith.constant 0 : i32
    %dma_start3A_331 = tpu.memref_slice %dma_start3A_329[%dma_start3A_330] : memref<512xf32, #tpu.memory_space<vmem>> -> memref<128xf32, #tpu.memory_space<vmem>>
    %dma_start3A_332 = arith.constant 0 : i32
    %dma_start3A_333 = tpu.memref_slice %arg7[%dma_start3A_325, %dma_start3A_332] : memref<4x128xi32, #tpu.memory_space<vmem>> -> memref<1x128xi32, #tpu.memory_space<vmem>>
    %dma_start3A_334 = tpu.memref_squeeze %dma_start3A_333 : memref<1x128xi32, #tpu.memory_space<vmem>> -> memref<128xi32, #tpu.memory_space<vmem>>
    %dma_start3A_335 = arith.constant 0 : i32
    %dma_start3A_336 = tpu.memref_slice %arg3[%dma_start3A_324, %dma_start3A_335] : memref<3x100000xf32, #tpu.memory_space<hbm>> -> memref<1x100000xf32, #tpu.memory_space<hbm>>
    %dma_start3A_337 = tpu.memref_squeeze %dma_start3A_336 : memref<1x100000xf32, #tpu.memory_space<hbm>> -> memref<100000xf32, #tpu.memory_space<hbm>>
    %dma_start3A_338 = arith.constant 0 : i32
    %dma_start3A_339 = tpu.memref_slice %dma_start3A_337[%dma_start3A_338] : memref<100000xf32, #tpu.memory_space<hbm>> -> memref<100000xf32, #tpu.memory_space<hbm>>
    tpu.enqueue_indirect_dma source(%dma_start3A_339 : memref<100000xf32, #tpu.memory_space<hbm>>) target(%dma_start3A_331 : memref<128xf32, #tpu.memory_space<vmem>>) offsets(%dma_start3A_334 : memref<128xi32, #tpu.memory_space<vmem>>) semaphore(%arg11 : memref<!tpu.dma_semaphore, #tpu.memory_space<semaphore_mem>>)
    %dma_start3A_340 = arith.constant 1 : i32
    %dma_start3A_341 = arith.constant 1 : i32
    %dma_start3A_342 = arith.constant 1 : i32
    %dma_start3A_343 = arith.constant 0 : i32
    %dma_start3A_344 = tpu.memref_slice %arg9[%dma_start3A_342, %dma_start3A_343] : memref<3x512xf32, #tpu.memory_space<vmem>> -> memref<1x512xf32, #tpu.memory_space<vmem>>
    %dma_start3A_345 = tpu.memref_squeeze %dma_start3A_344 : memref<1x512xf32, #tpu.memory_space<vmem>> -> memref<512xf32, #tpu.memory_space<vmem>>
    %dma_start3A_346 = arith.constant 128 : i32
    %dma_start3A_347 = tpu.memref_slice %dma_start3A_345[%dma_start3A_346] : memref<512xf32, #tpu.memory_space<vmem>> -> memref<128xf32, #tpu.memory_space<vmem>>
    %dma_start3A_348 = arith.constant 0 : i32
    %dma_start3A_349 = tpu.memref_slice %arg7[%dma_start3A_341, %dma_start3A_348] : memref<4x128xi32, #tpu.memory_space<vmem>> -> memref<1x128xi32, #tpu.memory_space<vmem>>
    %dma_start3A_350 = tpu.memref_squeeze %dma_start3A_349 : memref<1x128xi32, #tpu.memory_space<vmem>> -> memref<128xi32, #tpu.memory_space<vmem>>
    %dma_start3A_351 = arith.constant 0 : i32
    %dma_start3A_352 = tpu.memref_slice %arg3[%dma_start3A_340, %dma_start3A_351] : memref<3x100000xf32, #tpu.memory_space<hbm>> -> memref<1x100000xf32, #tpu.memory_space<hbm>>
    %dma_start3A_353 = tpu.memref_squeeze %dma_start3A_352 : memref<1x100000xf32, #tpu.memory_space<hbm>> -> memref<100000xf32, #tpu.memory_space<hbm>>
    %dma_start3A_354 = arith.constant 0 : i32
    %dma_start3A_355 = tpu.memref_slice %dma_start3A_353[%dma_start3A_354] : memref<100000xf32, #tpu.memory_space<hbm>> -> memref<100000xf32, #tpu.memory_space<hbm>>
    tpu.enqueue_indirect_dma source(%dma_start3A_355 : memref<100000xf32, #tpu.memory_space<hbm>>) target(%dma_start3A_347 : memref<128xf32, #tpu.memory_space<vmem>>) offsets(%dma_start3A_350 : memref<128xi32, #tpu.memory_space<vmem>>) semaphore(%arg11 : memref<!tpu.dma_semaphore, #tpu.memory_space<semaphore_mem>>)
    %dma_start3A_356 = arith.constant 1 : i32
    %dma_start3A_357 = arith.constant 2 : i32
    %dma_start3A_358 = arith.constant 1 : i32
    %dma_start3A_359 = arith.constant 0 : i32
    %dma_start3A_360 = tpu.memref_slice %arg9[%dma_start3A_358, %dma_start3A_359] : memref<3x512xf32, #tpu.memory_space<vmem>> -> memref<1x512xf32, #tpu.memory_space<vmem>>
    %dma_start3A_361 = tpu.memref_squeeze %dma_start3A_360 : memref<1x512xf32, #tpu.memory_space<vmem>> -> memref<512xf32, #tpu.memory_space<vmem>>
    %dma_start3A_362 = arith.constant 256 : i32
    %dma_start3A_363 = tpu.memref_slice %dma_start3A_361[%dma_start3A_362] : memref<512xf32, #tpu.memory_space<vmem>> -> memref<128xf32, #tpu.memory_space<vmem>>
    %dma_start3A_364 = arith.constant 0 : i32
    %dma_start3A_365 = tpu.memref_slice %arg7[%dma_start3A_357, %dma_start3A_364] : memref<4x128xi32, #tpu.memory_space<vmem>> -> memref<1x128xi32, #tpu.memory_space<vmem>>
    %dma_start3A_366 = tpu.memref_squeeze %dma_start3A_365 : memref<1x128xi32, #tpu.memory_space<vmem>> -> memref<128xi32, #tpu.memory_space<vmem>>
    %dma_start3A_367 = arith.constant 0 : i32
    %dma_start3A_368 = tpu.memref_slice %arg3[%dma_start3A_356, %dma_start3A_367] : memref<3x100000xf32, #tpu.memory_space<hbm>> -> memref<1x100000xf32, #tpu.memory_space<hbm>>
    %dma_start3A_369 = tpu.memref_squeeze %dma_start3A_368 : memref<1x100000xf32, #tpu.memory_space<hbm>> -> memref<100000xf32, #tpu.memory_space<hbm>>
    %dma_start3A_370 = arith.constant 0 : i32
    %dma_start3A_371 = tpu.memref_slice %dma_start3A_369[%dma_start3A_370] : memref<100000xf32, #tpu.memory_space<hbm>> -> memref<100000xf32, #tpu.memory_space<hbm>>
    tpu.enqueue_indirect_dma source(%dma_start3A_371 : memref<100000xf32, #tpu.memory_space<hbm>>) target(%dma_start3A_363 : memref<128xf32, #tpu.memory_space<vmem>>) offsets(%dma_start3A_366 : memref<128xi32, #tpu.memory_space<vmem>>) semaphore(%arg11 : memref<!tpu.dma_semaphore, #tpu.memory_space<semaphore_mem>>)
    %dma_start3A_372 = arith.constant 1 : i32
    %dma_start3A_373 = arith.constant 3 : i32
    %dma_start3A_374 = arith.constant 1 : i32
    %dma_start3A_375 = arith.constant 0 : i32
    %dma_start3A_376 = tpu.memref_slice %arg9[%dma_start3A_374, %dma_start3A_375] : memref<3x512xf32, #tpu.memory_space<vmem>> -> memref<1x512xf32, #tpu.memory_space<vmem>>
    %dma_start3A_377 = tpu.memref_squeeze %dma_start3A_376 : memref<1x512xf32, #tpu.memory_space<vmem>> -> memref<512xf32, #tpu.memory_space<vmem>>
    %dma_start3A_378 = arith.constant 384 : i32
    %dma_start3A_379 = tpu.memref_slice %dma_start3A_377[%dma_start3A_378] : memref<512xf32, #tpu.memory_space<vmem>> -> memref<128xf32, #tpu.memory_space<vmem>>
    %dma_start3A_380 = arith.constant 0 : i32
    %dma_start3A_381 = tpu.memref_slice %arg7[%dma_start3A_373, %dma_start3A_380] : memref<4x128xi32, #tpu.memory_space<vmem>> -> memref<1x128xi32, #tpu.memory_space<vmem>>
    %dma_start3A_382 = tpu.memref_squeeze %dma_start3A_381 : memref<1x128xi32, #tpu.memory_space<vmem>> -> memref<128xi32, #tpu.memory_space<vmem>>
    %dma_start3A_383 = arith.constant 0 : i32
    %dma_start3A_384 = tpu.memref_slice %arg3[%dma_start3A_372, %dma_start3A_383] : memref<3x100000xf32, #tpu.memory_space<hbm>> -> memref<1x100000xf32, #tpu.memory_space<hbm>>
    %dma_start3A_385 = tpu.memref_squeeze %dma_start3A_384 : memref<1x100000xf32, #tpu.memory_space<hbm>> -> memref<100000xf32, #tpu.memory_space<hbm>>
    %dma_start3A_386 = arith.constant 0 : i32
    %dma_start3A_387 = tpu.memref_slice %dma_start3A_385[%dma_start3A_386] : memref<100000xf32, #tpu.memory_space<hbm>> -> memref<100000xf32, #tpu.memory_space<hbm>>
    tpu.enqueue_indirect_dma source(%dma_start3A_387 : memref<100000xf32, #tpu.memory_space<hbm>>) target(%dma_start3A_379 : memref<128xf32, #tpu.memory_space<vmem>>) offsets(%dma_start3A_382 : memref<128xi32, #tpu.memory_space<vmem>>) semaphore(%arg11 : memref<!tpu.dma_semaphore, #tpu.memory_space<semaphore_mem>>)
    %dma_start3A_388 = arith.constant 2 : i32
    %dma_start3A_389 = arith.constant 0 : i32
    %dma_start3A_390 = arith.constant 2 : i32
    %dma_start3A_391 = arith.constant 0 : i32
    %dma_start3A_392 = tpu.memref_slice %arg9[%dma_start3A_390, %dma_start3A_391] : memref<3x512xf32, #tpu.memory_space<vmem>> -> memref<1x512xf32, #tpu.memory_space<vmem>>
    %dma_start3A_393 = tpu.memref_squeeze %dma_start3A_392 : memref<1x512xf32, #tpu.memory_space<vmem>> -> memref<512xf32, #tpu.memory_space<vmem>>
    %dma_start3A_394 = arith.constant 0 : i32
    %dma_start3A_395 = tpu.memref_slice %dma_start3A_393[%dma_start3A_394] : memref<512xf32, #tpu.memory_space<vmem>> -> memref<128xf32, #tpu.memory_space<vmem>>
    %dma_start3A_396 = arith.constant 0 : i32
    %dma_start3A_397 = tpu.memref_slice %arg7[%dma_start3A_389, %dma_start3A_396] : memref<4x128xi32, #tpu.memory_space<vmem>> -> memref<1x128xi32, #tpu.memory_space<vmem>>
    %dma_start3A_398 = tpu.memref_squeeze %dma_start3A_397 : memref<1x128xi32, #tpu.memory_space<vmem>> -> memref<128xi32, #tpu.memory_space<vmem>>
    %dma_start3A_399 = arith.constant 0 : i32
    %dma_start3A_400 = tpu.memref_slice %arg3[%dma_start3A_388, %dma_start3A_399] : memref<3x100000xf32, #tpu.memory_space<hbm>> -> memref<1x100000xf32, #tpu.memory_space<hbm>>
    %dma_start3A_401 = tpu.memref_squeeze %dma_start3A_400 : memref<1x100000xf32, #tpu.memory_space<hbm>> -> memref<100000xf32, #tpu.memory_space<hbm>>
    %dma_start3A_402 = arith.constant 0 : i32
    %dma_start3A_403 = tpu.memref_slice %dma_start3A_401[%dma_start3A_402] : memref<100000xf32, #tpu.memory_space<hbm>> -> memref<100000xf32, #tpu.memory_space<hbm>>
    tpu.enqueue_indirect_dma source(%dma_start3A_403 : memref<100000xf32, #tpu.memory_space<hbm>>) target(%dma_start3A_395 : memref<128xf32, #tpu.memory_space<vmem>>) offsets(%dma_start3A_398 : memref<128xi32, #tpu.memory_space<vmem>>) semaphore(%arg11 : memref<!tpu.dma_semaphore, #tpu.memory_space<semaphore_mem>>)
    %dma_start3A_404 = arith.constant 2 : i32
    %dma_start3A_405 = arith.constant 1 : i32
    %dma_start3A_406 = arith.constant 2 : i32
    %dma_start3A_407 = arith.constant 0 : i32
    %dma_start3A_408 = tpu.memref_slice %arg9[%dma_start3A_406, %dma_start3A_407] : memref<3x512xf32, #tpu.memory_space<vmem>> -> memref<1x512xf32, #tpu.memory_space<vmem>>
    %dma_start3A_409 = tpu.memref_squeeze %dma_start3A_408 : memref<1x512xf32, #tpu.memory_space<vmem>> -> memref<512xf32, #tpu.memory_space<vmem>>
    %dma_start3A_410 = arith.constant 128 : i32
    %dma_start3A_411 = tpu.memref_slice %dma_start3A_409[%dma_start3A_410] : memref<512xf32, #tpu.memory_space<vmem>> -> memref<128xf32, #tpu.memory_space<vmem>>
    %dma_start3A_412 = arith.constant 0 : i32
    %dma_start3A_413 = tpu.memref_slice %arg7[%dma_start3A_405, %dma_start3A_412] : memref<4x128xi32, #tpu.memory_space<vmem>> -> memref<1x128xi32, #tpu.memory_space<vmem>>
    %dma_start3A_414 = tpu.memref_squeeze %dma_start3A_413 : memref<1x128xi32, #tpu.memory_space<vmem>> -> memref<128xi32, #tpu.memory_space<vmem>>
    %dma_start3A_415 = arith.constant 0 : i32
    %dma_start3A_416 = tpu.memref_slice %arg3[%dma_start3A_404, %dma_start3A_415] : memref<3x100000xf32, #tpu.memory_space<hbm>> -> memref<1x100000xf32, #tpu.memory_space<hbm>>
    %dma_start3A_417 = tpu.memref_squeeze %dma_start3A_416 : memref<1x100000xf32, #tpu.memory_space<hbm>> -> memref<100000xf32, #tpu.memory_space<hbm>>
    %dma_start3A_418 = arith.constant 0 : i32
    %dma_start3A_419 = tpu.memref_slice %dma_start3A_417[%dma_start3A_418] : memref<100000xf32, #tpu.memory_space<hbm>> -> memref<100000xf32, #tpu.memory_space<hbm>>
    tpu.enqueue_indirect_dma source(%dma_start3A_419 : memref<100000xf32, #tpu.memory_space<hbm>>) target(%dma_start3A_411 : memref<128xf32, #tpu.memory_space<vmem>>) offsets(%dma_start3A_414 : memref<128xi32, #tpu.memory_space<vmem>>) semaphore(%arg11 : memref<!tpu.dma_semaphore, #tpu.memory_space<semaphore_mem>>)
    %dma_start3A_420 = arith.constant 2 : i32
    %dma_start3A_421 = arith.constant 2 : i32
    %dma_start3A_422 = arith.constant 2 : i32
    %dma_start3A_423 = arith.constant 0 : i32
    %dma_start3A_424 = tpu.memref_slice %arg9[%dma_start3A_422, %dma_start3A_423] : memref<3x512xf32, #tpu.memory_space<vmem>> -> memref<1x512xf32, #tpu.memory_space<vmem>>
    %dma_start3A_425 = tpu.memref_squeeze %dma_start3A_424 : memref<1x512xf32, #tpu.memory_space<vmem>> -> memref<512xf32, #tpu.memory_space<vmem>>
    %dma_start3A_426 = arith.constant 256 : i32
    %dma_start3A_427 = tpu.memref_slice %dma_start3A_425[%dma_start3A_426] : memref<512xf32, #tpu.memory_space<vmem>> -> memref<128xf32, #tpu.memory_space<vmem>>
    %dma_start3A_428 = arith.constant 0 : i32
    %dma_start3A_429 = tpu.memref_slice %arg7[%dma_start3A_421, %dma_start3A_428] : memref<4x128xi32, #tpu.memory_space<vmem>> -> memref<1x128xi32, #tpu.memory_space<vmem>>
    %dma_start3A_430 = tpu.memref_squeeze %dma_start3A_429 : memref<1x128xi32, #tpu.memory_space<vmem>> -> memref<128xi32, #tpu.memory_space<vmem>>
    %dma_start3A_431 = arith.constant 0 : i32
    %dma_start3A_432 = tpu.memref_slice %arg3[%dma_start3A_420, %dma_start3A_431] : memref<3x100000xf32, #tpu.memory_space<hbm>> -> memref<1x100000xf32, #tpu.memory_space<hbm>>
    %dma_start3A_433 = tpu.memref_squeeze %dma_start3A_432 : memref<1x100000xf32, #tpu.memory_space<hbm>> -> memref<100000xf32, #tpu.memory_space<hbm>>
    %dma_start3A_434 = arith.constant 0 : i32
    %dma_start3A_435 = tpu.memref_slice %dma_start3A_433[%dma_start3A_434] : memref<100000xf32, #tpu.memory_space<hbm>> -> memref<100000xf32, #tpu.memory_space<hbm>>
    tpu.enqueue_indirect_dma source(%dma_start3A_435 : memref<100000xf32, #tpu.memory_space<hbm>>) target(%dma_start3A_427 : memref<128xf32, #tpu.memory_space<vmem>>) offsets(%dma_start3A_430 : memref<128xi32, #tpu.memory_space<vmem>>) semaphore(%arg11 : memref<!tpu.dma_semaphore, #tpu.memory_space<semaphore_mem>>)
    %dma_start3A_436 = arith.constant 2 : i32
    %dma_start3A_437 = arith.constant 3 : i32
    %dma_start3A_438 = arith.constant 2 : i32
    %dma_start3A_439 = arith.constant 0 : i32
    %dma_start3A_440 = tpu.memref_slice %arg9[%dma_start3A_438, %dma_start3A_439] : memref<3x512xf32, #tpu.memory_space<vmem>> -> memref<1x512xf32, #tpu.memory_space<vmem>>
    %dma_start3A_441 = tpu.memref_squeeze %dma_start3A_440 : memref<1x512xf32, #tpu.memory_space<vmem>> -> memref<512xf32, #tpu.memory_space<vmem>>
    %dma_start3A_442 = arith.constant 384 : i32
    %dma_start3A_443 = tpu.memref_slice %dma_start3A_441[%dma_start3A_442] : memref<512xf32, #tpu.memory_space<vmem>> -> memref<128xf32, #tpu.memory_space<vmem>>
    %dma_start3A_444 = arith.constant 0 : i32
    %dma_start3A_445 = tpu.memref_slice %arg7[%dma_start3A_437, %dma_start3A_444] : memref<4x128xi32, #tpu.memory_space<vmem>> -> memref<1x128xi32, #tpu.memory_space<vmem>>
    %dma_start3A_446 = tpu.memref_squeeze %dma_start3A_445 : memref<1x128xi32, #tpu.memory_space<vmem>> -> memref<128xi32, #tpu.memory_space<vmem>>
    %dma_start3A_447 = arith.constant 0 : i32
    %dma_start3A_448 = tpu.memref_slice %arg3[%dma_start3A_436, %dma_start3A_447] : memref<3x100000xf32, #tpu.memory_space<hbm>> -> memref<1x100000xf32, #tpu.memory_space<hbm>>
    %dma_start3A_449 = tpu.memref_squeeze %dma_start3A_448 : memref<1x100000xf32, #tpu.memory_space<hbm>> -> memref<100000xf32, #tpu.memory_space<hbm>>
    %dma_start3A_450 = arith.constant 0 : i32
    %dma_start3A_451 = tpu.memref_slice %dma_start3A_449[%dma_start3A_450] : memref<100000xf32, #tpu.memory_space<hbm>> -> memref<100000xf32, #tpu.memory_space<hbm>>
    tpu.enqueue_indirect_dma source(%dma_start3A_451 : memref<100000xf32, #tpu.memory_space<hbm>>) target(%dma_start3A_443 : memref<128xf32, #tpu.memory_space<vmem>>) offsets(%dma_start3A_446 : memref<128xi32, #tpu.memory_space<vmem>>) semaphore(%arg11 : memref<!tpu.dma_semaphore, #tpu.memory_space<semaphore_mem>>)
    %dma_wait3A = arith.constant 0 : i32
    %dma_wait3A_452 = arith.constant 0 : i32
    %dma_wait3A_453 = arith.constant 0 : i32
    %dma_wait3A_454 = arith.constant 0 : i32
    %dma_wait3A_455 = tpu.memref_slice %arg8[%dma_wait3A_453, %dma_wait3A_454] : memref<4x512xf32, #tpu.memory_space<vmem>> -> memref<1x512xf32, #tpu.memory_space<vmem>>
    %dma_wait3A_456 = tpu.memref_squeeze %dma_wait3A_455 : memref<1x512xf32, #tpu.memory_space<vmem>> -> memref<512xf32, #tpu.memory_space<vmem>>
    %dma_wait3A_457 = arith.constant 0 : i32
    %dma_wait3A_458 = tpu.memref_slice %dma_wait3A_456[%dma_wait3A_457] : memref<512xf32, #tpu.memory_space<vmem>> -> memref<128xf32, #tpu.memory_space<vmem>>
    %dma_wait3A_459 = arith.constant 0 : i32
    %dma_wait3A_460 = tpu.memref_slice %arg7[%dma_wait3A_452, %dma_wait3A_459] : memref<4x128xi32, #tpu.memory_space<vmem>> -> memref<1x128xi32, #tpu.memory_space<vmem>>
    %dma_wait3A_461 = tpu.memref_squeeze %dma_wait3A_460 : memref<1x128xi32, #tpu.memory_space<vmem>> -> memref<128xi32, #tpu.memory_space<vmem>>
    %dma_wait3A_462 = arith.constant 0 : i32
    %dma_wait3A_463 = tpu.memref_slice %arg2[%dma_wait3A, %dma_wait3A_462] : memref<4x100000xf32, #tpu.memory_space<hbm>> -> memref<1x100000xf32, #tpu.memory_space<hbm>>
    %dma_wait3A_464 = tpu.memref_squeeze %dma_wait3A_463 : memref<1x100000xf32, #tpu.memory_space<hbm>> -> memref<100000xf32, #tpu.memory_space<hbm>>
    %dma_wait3A_465 = arith.constant 0 : i32
    %dma_wait3A_466 = tpu.memref_slice %dma_wait3A_464[%dma_wait3A_465] : memref<100000xf32, #tpu.memory_space<hbm>> -> memref<100000xf32, #tpu.memory_space<hbm>>
    tpu.wait_indirect_dma semaphore(%arg10 : memref<!tpu.dma_semaphore, #tpu.memory_space<semaphore_mem>>) src(%dma_wait3A_466 : memref<100000xf32, #tpu.memory_space<hbm>>) dst(%dma_wait3A_458 : memref<128xf32, #tpu.memory_space<vmem>>)
    %dma_wait3A_467 = arith.constant 0 : i32
    %dma_wait3A_468 = arith.constant 1 : i32
    %dma_wait3A_469 = arith.constant 0 : i32
    %dma_wait3A_470 = arith.constant 0 : i32
    %dma_wait3A_471 = tpu.memref_slice %arg8[%dma_wait3A_469, %dma_wait3A_470] : memref<4x512xf32, #tpu.memory_space<vmem>> -> memref<1x512xf32, #tpu.memory_space<vmem>>
    %dma_wait3A_472 = tpu.memref_squeeze %dma_wait3A_471 : memref<1x512xf32, #tpu.memory_space<vmem>> -> memref<512xf32, #tpu.memory_space<vmem>>
    %dma_wait3A_473 = arith.constant 128 : i32
    %dma_wait3A_474 = tpu.memref_slice %dma_wait3A_472[%dma_wait3A_473] : memref<512xf32, #tpu.memory_space<vmem>> -> memref<128xf32, #tpu.memory_space<vmem>>
    %dma_wait3A_475 = arith.constant 0 : i32
    %dma_wait3A_476 = tpu.memref_slice %arg7[%dma_wait3A_468, %dma_wait3A_475] : memref<4x128xi32, #tpu.memory_space<vmem>> -> memref<1x128xi32, #tpu.memory_space<vmem>>
    %dma_wait3A_477 = tpu.memref_squeeze %dma_wait3A_476 : memref<1x128xi32, #tpu.memory_space<vmem>> -> memref<128xi32, #tpu.memory_space<vmem>>
    %dma_wait3A_478 = arith.constant 0 : i32
    %dma_wait3A_479 = tpu.memref_slice %arg2[%dma_wait3A_467, %dma_wait3A_478] : memref<4x100000xf32, #tpu.memory_space<hbm>> -> memref<1x100000xf32, #tpu.memory_space<hbm>>
    %dma_wait3A_480 = tpu.memref_squeeze %dma_wait3A_479 : memref<1x100000xf32, #tpu.memory_space<hbm>> -> memref<100000xf32, #tpu.memory_space<hbm>>
    %dma_wait3A_481 = arith.constant 0 : i32
    %dma_wait3A_482 = tpu.memref_slice %dma_wait3A_480[%dma_wait3A_481] : memref<100000xf32, #tpu.memory_space<hbm>> -> memref<100000xf32, #tpu.memory_space<hbm>>
    tpu.wait_indirect_dma semaphore(%arg10 : memref<!tpu.dma_semaphore, #tpu.memory_space<semaphore_mem>>) src(%dma_wait3A_482 : memref<100000xf32, #tpu.memory_space<hbm>>) dst(%dma_wait3A_474 : memref<128xf32, #tpu.memory_space<vmem>>)
    %dma_wait3A_483 = arith.constant 0 : i32
    %dma_wait3A_484 = arith.constant 2 : i32
    %dma_wait3A_485 = arith.constant 0 : i32
    %dma_wait3A_486 = arith.constant 0 : i32
    %dma_wait3A_487 = tpu.memref_slice %arg8[%dma_wait3A_485, %dma_wait3A_486] : memref<4x512xf32, #tpu.memory_space<vmem>> -> memref<1x512xf32, #tpu.memory_space<vmem>>
    %dma_wait3A_488 = tpu.memref_squeeze %dma_wait3A_487 : memref<1x512xf32, #tpu.memory_space<vmem>> -> memref<512xf32, #tpu.memory_space<vmem>>
    %dma_wait3A_489 = arith.constant 256 : i32
    %dma_wait3A_490 = tpu.memref_slice %dma_wait3A_488[%dma_wait3A_489] : memref<512xf32, #tpu.memory_space<vmem>> -> memref<128xf32, #tpu.memory_space<vmem>>
    %dma_wait3A_491 = arith.constant 0 : i32
    %dma_wait3A_492 = tpu.memref_slice %arg7[%dma_wait3A_484, %dma_wait3A_491] : memref<4x128xi32, #tpu.memory_space<vmem>> -> memref<1x128xi32, #tpu.memory_space<vmem>>
    %dma_wait3A_493 = tpu.memref_squeeze %dma_wait3A_492 : memref<1x128xi32, #tpu.memory_space<vmem>> -> memref<128xi32, #tpu.memory_space<vmem>>
    %dma_wait3A_494 = arith.constant 0 : i32
    %dma_wait3A_495 = tpu.memref_slice %arg2[%dma_wait3A_483, %dma_wait3A_494] : memref<4x100000xf32, #tpu.memory_space<hbm>> -> memref<1x100000xf32, #tpu.memory_space<hbm>>
    %dma_wait3A_496 = tpu.memref_squeeze %dma_wait3A_495 : memref<1x100000xf32, #tpu.memory_space<hbm>> -> memref<100000xf32, #tpu.memory_space<hbm>>
    %dma_wait3A_497 = arith.constant 0 : i32
    %dma_wait3A_498 = tpu.memref_slice %dma_wait3A_496[%dma_wait3A_497] : memref<100000xf32, #tpu.memory_space<hbm>> -> memref<100000xf32, #tpu.memory_space<hbm>>
    tpu.wait_indirect_dma semaphore(%arg10 : memref<!tpu.dma_semaphore, #tpu.memory_space<semaphore_mem>>) src(%dma_wait3A_498 : memref<100000xf32, #tpu.memory_space<hbm>>) dst(%dma_wait3A_490 : memref<128xf32, #tpu.memory_space<vmem>>)
    %dma_wait3A_499 = arith.constant 0 : i32
    %dma_wait3A_500 = arith.constant 3 : i32
    %dma_wait3A_501 = arith.constant 0 : i32
    %dma_wait3A_502 = arith.constant 0 : i32
    %dma_wait3A_503 = tpu.memref_slice %arg8[%dma_wait3A_501, %dma_wait3A_502] : memref<4x512xf32, #tpu.memory_space<vmem>> -> memref<1x512xf32, #tpu.memory_space<vmem>>
    %dma_wait3A_504 = tpu.memref_squeeze %dma_wait3A_503 : memref<1x512xf32, #tpu.memory_space<vmem>> -> memref<512xf32, #tpu.memory_space<vmem>>
    %dma_wait3A_505 = arith.constant 384 : i32
    %dma_wait3A_506 = tpu.memref_slice %dma_wait3A_504[%dma_wait3A_505] : memref<512xf32, #tpu.memory_space<vmem>> -> memref<128xf32, #tpu.memory_space<vmem>>
    %dma_wait3A_507 = arith.constant 0 : i32
    %dma_wait3A_508 = tpu.memref_slice %arg7[%dma_wait3A_500, %dma_wait3A_507] : memref<4x128xi32, #tpu.memory_space<vmem>> -> memref<1x128xi32, #tpu.memory_space<vmem>>
    %dma_wait3A_509 = tpu.memref_squeeze %dma_wait3A_508 : memref<1x128xi32, #tpu.memory_space<vmem>> -> memref<128xi32, #tpu.memory_space<vmem>>
    %dma_wait3A_510 = arith.constant 0 : i32
    %dma_wait3A_511 = tpu.memref_slice %arg2[%dma_wait3A_499, %dma_wait3A_510] : memref<4x100000xf32, #tpu.memory_space<hbm>> -> memref<1x100000xf32, #tpu.memory_space<hbm>>
    %dma_wait3A_512 = tpu.memref_squeeze %dma_wait3A_511 : memref<1x100000xf32, #tpu.memory_space<hbm>> -> memref<100000xf32, #tpu.memory_space<hbm>>
    %dma_wait3A_513 = arith.constant 0 : i32
    %dma_wait3A_514 = tpu.memref_slice %dma_wait3A_512[%dma_wait3A_513] : memref<100000xf32, #tpu.memory_space<hbm>> -> memref<100000xf32, #tpu.memory_space<hbm>>
    tpu.wait_indirect_dma semaphore(%arg10 : memref<!tpu.dma_semaphore, #tpu.memory_space<semaphore_mem>>) src(%dma_wait3A_514 : memref<100000xf32, #tpu.memory_space<hbm>>) dst(%dma_wait3A_506 : memref<128xf32, #tpu.memory_space<vmem>>)
    %run_scoped3A = arith.constant 0 : i32
    %run_scoped3A_515 = arith.constant 0 : i32
    "tpu.region"() ({
      %run_scoped3A_912 = tpu.sem_alloc : memref<!tpu.dma_semaphore, #tpu.memory_space<semaphore_mem>>
      %dma_start3A_913 = arith.constant 0 : i32
      %dma_start3A_914 = tpu.memref_slice %arg8[%run_scoped3A, %dma_start3A_913] : memref<4x512xf32, #tpu.memory_space<vmem>> -> memref<1x512xf32, #tpu.memory_space<vmem>>
      %dma_start3A_915 = tpu.memref_squeeze %dma_start3A_914 : memref<1x512xf32, #tpu.memory_space<vmem>> -> memref<512xf32, #tpu.memory_space<vmem>>
      %dma_start3A_916 = arith.constant 0 : i32
      %dma_start3A_917 = tpu.memref_slice %arg5[%run_scoped3A_515, %dma_start3A_916] : memref<4x16384xf32, #tpu.memory_space<hbm>> -> memref<1x16384xf32, #tpu.memory_space<hbm>>
      %dma_start3A_918 = tpu.memref_squeeze %dma_start3A_917 : memref<1x16384xf32, #tpu.memory_space<hbm>> -> memref<16384xf32, #tpu.memory_space<hbm>>
      %dma_start3A_919 = tpu.memref_slice %dma_start3A_918[%mul3A_2] : memref<16384xf32, #tpu.memory_space<hbm>> -> memref<512xf32, #tpu.memory_space<hbm>>
      %dma_start3A_920 = arith.constant 0 : i32
      %dma_start3A_921 = tpu.memref_slice %arg5[%run_scoped3A_515, %dma_start3A_920] : memref<4x16384xf32, #tpu.memory_space<hbm>> -> memref<1x16384xf32, #tpu.memory_space<hbm>>
      %dma_start3A_922 = tpu.memref_squeeze %dma_start3A_921 : memref<1x16384xf32, #tpu.memory_space<hbm>> -> memref<16384xf32, #tpu.memory_space<hbm>>
      %dma_start3A_923 = tpu.memref_slice %dma_start3A_922[%mul3A_2] : memref<16384xf32, #tpu.memory_space<hbm>> -> memref<512xf32, #tpu.memory_space<hbm>>
      %dma_start3A_924 = arith.constant 0 : i32
      %dma_start3A_925 = tpu.memref_slice %arg8[%run_scoped3A, %dma_start3A_924] : memref<4x512xf32, #tpu.memory_space<vmem>> -> memref<1x512xf32, #tpu.memory_space<vmem>>
      %dma_start3A_926 = tpu.memref_squeeze %dma_start3A_925 : memref<1x512xf32, #tpu.memory_space<vmem>> -> memref<512xf32, #tpu.memory_space<vmem>>
      tpu.enqueue_dma source(%dma_start3A_926 : memref<512xf32, #tpu.memory_space<vmem>>) target(%dma_start3A_923 : memref<512xf32, #tpu.memory_space<hbm>>) target_semaphore(%run_scoped3A_912 : memref<!tpu.dma_semaphore, #tpu.memory_space<semaphore_mem>>)
      %dma_wait3A_927 = arith.constant 0 : i32
      %dma_wait3A_928 = tpu.memref_slice %arg8[%run_scoped3A, %dma_wait3A_927] : memref<4x512xf32, #tpu.memory_space<vmem>> -> memref<1x512xf32, #tpu.memory_space<vmem>>
      %dma_wait3A_929 = tpu.memref_squeeze %dma_wait3A_928 : memref<1x512xf32, #tpu.memory_space<vmem>> -> memref<512xf32, #tpu.memory_space<vmem>>
      %dma_wait3A_930 = arith.constant 0 : i32
      %dma_wait3A_931 = tpu.memref_slice %arg5[%run_scoped3A_515, %dma_wait3A_930] : memref<4x16384xf32, #tpu.memory_space<hbm>> -> memref<1x16384xf32, #tpu.memory_space<hbm>>
      %dma_wait3A_932 = tpu.memref_squeeze %dma_wait3A_931 : memref<1x16384xf32, #tpu.memory_space<hbm>> -> memref<16384xf32, #tpu.memory_space<hbm>>
      %dma_wait3A_933 = tpu.memref_slice %dma_wait3A_932[%mul3A_2] : memref<16384xf32, #tpu.memory_space<hbm>> -> memref<512xf32, #tpu.memory_space<hbm>>
      %dma_wait3A_934 = arith.constant 0 : i32
      %dma_wait3A_935 = tpu.memref_slice %arg5[%run_scoped3A_515, %dma_wait3A_934] : memref<4x16384xf32, #tpu.memory_space<hbm>> -> memref<1x16384xf32, #tpu.memory_space<hbm>>
      %dma_wait3A_936 = tpu.memref_squeeze %dma_wait3A_935 : memref<1x16384xf32, #tpu.memory_space<hbm>> -> memref<16384xf32, #tpu.memory_space<hbm>>
      %dma_wait3A_937 = tpu.memref_slice %dma_wait3A_936[%mul3A_2] : memref<16384xf32, #tpu.memory_space<hbm>> -> memref<512xf32, #tpu.memory_space<hbm>>
      %dma_wait3A_938 = arith.constant 0 : i32
      %dma_wait3A_939 = tpu.memref_slice %arg8[%run_scoped3A, %dma_wait3A_938] : memref<4x512xf32, #tpu.memory_space<vmem>> -> memref<1x512xf32, #tpu.memory_space<vmem>>
      %dma_wait3A_940 = tpu.memref_squeeze %dma_wait3A_939 : memref<1x512xf32, #tpu.memory_space<vmem>> -> memref<512xf32, #tpu.memory_space<vmem>>
      tpu.wait_dma2 semaphore(%run_scoped3A_912 : memref<!tpu.dma_semaphore, #tpu.memory_space<semaphore_mem>>) src(%dma_wait3A_940 : memref<512xf32, #tpu.memory_space<vmem>>) dst(%dma_wait3A_937 : memref<512xf32, #tpu.memory_space<hbm>>)
      tpu.yield
    }) : () -> ()
    %dma_wait3A_516 = arith.constant 1 : i32
    %dma_wait3A_517 = arith.constant 0 : i32
    %dma_wait3A_518 = arith.constant 1 : i32
    %dma_wait3A_519 = arith.constant 0 : i32
    %dma_wait3A_520 = tpu.memref_slice %arg8[%dma_wait3A_518, %dma_wait3A_519] : memref<4x512xf32, #tpu.memory_space<vmem>> -> memref<1x512xf32, #tpu.memory_space<vmem>>
    %dma_wait3A_521 = tpu.memref_squeeze %dma_wait3A_520 : memref<1x512xf32, #tpu.memory_space<vmem>> -> memref<512xf32, #tpu.memory_space<vmem>>
    %dma_wait3A_522 = arith.constant 0 : i32
    %dma_wait3A_523 = tpu.memref_slice %dma_wait3A_521[%dma_wait3A_522] : memref<512xf32, #tpu.memory_space<vmem>> -> memref<128xf32, #tpu.memory_space<vmem>>
    %dma_wait3A_524 = arith.constant 0 : i32
    %dma_wait3A_525 = tpu.memref_slice %arg7[%dma_wait3A_517, %dma_wait3A_524] : memref<4x128xi32, #tpu.memory_space<vmem>> -> memref<1x128xi32, #tpu.memory_space<vmem>>
    %dma_wait3A_526 = tpu.memref_squeeze %dma_wait3A_525 : memref<1x128xi32, #tpu.memory_space<vmem>> -> memref<128xi32, #tpu.memory_space<vmem>>
    %dma_wait3A_527 = arith.constant 0 : i32
    %dma_wait3A_528 = tpu.memref_slice %arg2[%dma_wait3A_516, %dma_wait3A_527] : memref<4x100000xf32, #tpu.memory_space<hbm>> -> memref<1x100000xf32, #tpu.memory_space<hbm>>
    %dma_wait3A_529 = tpu.memref_squeeze %dma_wait3A_528 : memref<1x100000xf32, #tpu.memory_space<hbm>> -> memref<100000xf32, #tpu.memory_space<hbm>>
    %dma_wait3A_530 = arith.constant 0 : i32
    %dma_wait3A_531 = tpu.memref_slice %dma_wait3A_529[%dma_wait3A_530] : memref<100000xf32, #tpu.memory_space<hbm>> -> memref<100000xf32, #tpu.memory_space<hbm>>
    tpu.wait_indirect_dma semaphore(%arg10 : memref<!tpu.dma_semaphore, #tpu.memory_space<semaphore_mem>>) src(%dma_wait3A_531 : memref<100000xf32, #tpu.memory_space<hbm>>) dst(%dma_wait3A_523 : memref<128xf32, #tpu.memory_space<vmem>>)
    %dma_wait3A_532 = arith.constant 1 : i32
    %dma_wait3A_533 = arith.constant 1 : i32
    %dma_wait3A_534 = arith.constant 1 : i32
    %dma_wait3A_535 = arith.constant 0 : i32
    %dma_wait3A_536 = tpu.memref_slice %arg8[%dma_wait3A_534, %dma_wait3A_535] : memref<4x512xf32, #tpu.memory_space<vmem>> -> memref<1x512xf32, #tpu.memory_space<vmem>>
    %dma_wait3A_537 = tpu.memref_squeeze %dma_wait3A_536 : memref<1x512xf32, #tpu.memory_space<vmem>> -> memref<512xf32, #tpu.memory_space<vmem>>
    %dma_wait3A_538 = arith.constant 128 : i32
    %dma_wait3A_539 = tpu.memref_slice %dma_wait3A_537[%dma_wait3A_538] : memref<512xf32, #tpu.memory_space<vmem>> -> memref<128xf32, #tpu.memory_space<vmem>>
    %dma_wait3A_540 = arith.constant 0 : i32
    %dma_wait3A_541 = tpu.memref_slice %arg7[%dma_wait3A_533, %dma_wait3A_540] : memref<4x128xi32, #tpu.memory_space<vmem>> -> memref<1x128xi32, #tpu.memory_space<vmem>>
    %dma_wait3A_542 = tpu.memref_squeeze %dma_wait3A_541 : memref<1x128xi32, #tpu.memory_space<vmem>> -> memref<128xi32, #tpu.memory_space<vmem>>
    %dma_wait3A_543 = arith.constant 0 : i32
    %dma_wait3A_544 = tpu.memref_slice %arg2[%dma_wait3A_532, %dma_wait3A_543] : memref<4x100000xf32, #tpu.memory_space<hbm>> -> memref<1x100000xf32, #tpu.memory_space<hbm>>
    %dma_wait3A_545 = tpu.memref_squeeze %dma_wait3A_544 : memref<1x100000xf32, #tpu.memory_space<hbm>> -> memref<100000xf32, #tpu.memory_space<hbm>>
    %dma_wait3A_546 = arith.constant 0 : i32
    %dma_wait3A_547 = tpu.memref_slice %dma_wait3A_545[%dma_wait3A_546] : memref<100000xf32, #tpu.memory_space<hbm>> -> memref<100000xf32, #tpu.memory_space<hbm>>
    tpu.wait_indirect_dma semaphore(%arg10 : memref<!tpu.dma_semaphore, #tpu.memory_space<semaphore_mem>>) src(%dma_wait3A_547 : memref<100000xf32, #tpu.memory_space<hbm>>) dst(%dma_wait3A_539 : memref<128xf32, #tpu.memory_space<vmem>>)
    %dma_wait3A_548 = arith.constant 1 : i32
    %dma_wait3A_549 = arith.constant 2 : i32
    %dma_wait3A_550 = arith.constant 1 : i32
    %dma_wait3A_551 = arith.constant 0 : i32
    %dma_wait3A_552 = tpu.memref_slice %arg8[%dma_wait3A_550, %dma_wait3A_551] : memref<4x512xf32, #tpu.memory_space<vmem>> -> memref<1x512xf32, #tpu.memory_space<vmem>>
    %dma_wait3A_553 = tpu.memref_squeeze %dma_wait3A_552 : memref<1x512xf32, #tpu.memory_space<vmem>> -> memref<512xf32, #tpu.memory_space<vmem>>
    %dma_wait3A_554 = arith.constant 256 : i32
    %dma_wait3A_555 = tpu.memref_slice %dma_wait3A_553[%dma_wait3A_554] : memref<512xf32, #tpu.memory_space<vmem>> -> memref<128xf32, #tpu.memory_space<vmem>>
    %dma_wait3A_556 = arith.constant 0 : i32
    %dma_wait3A_557 = tpu.memref_slice %arg7[%dma_wait3A_549, %dma_wait3A_556] : memref<4x128xi32, #tpu.memory_space<vmem>> -> memref<1x128xi32, #tpu.memory_space<vmem>>
    %dma_wait3A_558 = tpu.memref_squeeze %dma_wait3A_557 : memref<1x128xi32, #tpu.memory_space<vmem>> -> memref<128xi32, #tpu.memory_space<vmem>>
    %dma_wait3A_559 = arith.constant 0 : i32
    %dma_wait3A_560 = tpu.memref_slice %arg2[%dma_wait3A_548, %dma_wait3A_559] : memref<4x100000xf32, #tpu.memory_space<hbm>> -> memref<1x100000xf32, #tpu.memory_space<hbm>>
    %dma_wait3A_561 = tpu.memref_squeeze %dma_wait3A_560 : memref<1x100000xf32, #tpu.memory_space<hbm>> -> memref<100000xf32, #tpu.memory_space<hbm>>
    %dma_wait3A_562 = arith.constant 0 : i32
    %dma_wait3A_563 = tpu.memref_slice %dma_wait3A_561[%dma_wait3A_562] : memref<100000xf32, #tpu.memory_space<hbm>> -> memref<100000xf32, #tpu.memory_space<hbm>>
    tpu.wait_indirect_dma semaphore(%arg10 : memref<!tpu.dma_semaphore, #tpu.memory_space<semaphore_mem>>) src(%dma_wait3A_563 : memref<100000xf32, #tpu.memory_space<hbm>>) dst(%dma_wait3A_555 : memref<128xf32, #tpu.memory_space<vmem>>)
    %dma_wait3A_564 = arith.constant 1 : i32
    %dma_wait3A_565 = arith.constant 3 : i32
    %dma_wait3A_566 = arith.constant 1 : i32
    %dma_wait3A_567 = arith.constant 0 : i32
    %dma_wait3A_568 = tpu.memref_slice %arg8[%dma_wait3A_566, %dma_wait3A_567] : memref<4x512xf32, #tpu.memory_space<vmem>> -> memref<1x512xf32, #tpu.memory_space<vmem>>
    %dma_wait3A_569 = tpu.memref_squeeze %dma_wait3A_568 : memref<1x512xf32, #tpu.memory_space<vmem>> -> memref<512xf32, #tpu.memory_space<vmem>>
    %dma_wait3A_570 = arith.constant 384 : i32
    %dma_wait3A_571 = tpu.memref_slice %dma_wait3A_569[%dma_wait3A_570] : memref<512xf32, #tpu.memory_space<vmem>> -> memref<128xf32, #tpu.memory_space<vmem>>
    %dma_wait3A_572 = arith.constant 0 : i32
    %dma_wait3A_573 = tpu.memref_slice %arg7[%dma_wait3A_565, %dma_wait3A_572] : memref<4x128xi32, #tpu.memory_space<vmem>> -> memref<1x128xi32, #tpu.memory_space<vmem>>
    %dma_wait3A_574 = tpu.memref_squeeze %dma_wait3A_573 : memref<1x128xi32, #tpu.memory_space<vmem>> -> memref<128xi32, #tpu.memory_space<vmem>>
    %dma_wait3A_575 = arith.constant 0 : i32
    %dma_wait3A_576 = tpu.memref_slice %arg2[%dma_wait3A_564, %dma_wait3A_575] : memref<4x100000xf32, #tpu.memory_space<hbm>> -> memref<1x100000xf32, #tpu.memory_space<hbm>>
    %dma_wait3A_577 = tpu.memref_squeeze %dma_wait3A_576 : memref<1x100000xf32, #tpu.memory_space<hbm>> -> memref<100000xf32, #tpu.memory_space<hbm>>
    %dma_wait3A_578 = arith.constant 0 : i32
    %dma_wait3A_579 = tpu.memref_slice %dma_wait3A_577[%dma_wait3A_578] : memref<100000xf32, #tpu.memory_space<hbm>> -> memref<100000xf32, #tpu.memory_space<hbm>>
    tpu.wait_indirect_dma semaphore(%arg10 : memref<!tpu.dma_semaphore, #tpu.memory_space<semaphore_mem>>) src(%dma_wait3A_579 : memref<100000xf32, #tpu.memory_space<hbm>>) dst(%dma_wait3A_571 : memref<128xf32, #tpu.memory_space<vmem>>)
    %run_scoped3A_580 = arith.constant 1 : i32
    %run_scoped3A_581 = arith.constant 1 : i32
    "tpu.region"() ({
      %run_scoped3A_912 = tpu.sem_alloc : memref<!tpu.dma_semaphore, #tpu.memory_space<semaphore_mem>>
      %dma_start3A_913 = arith.constant 0 : i32
      %dma_start3A_914 = tpu.memref_slice %arg8[%run_scoped3A_580, %dma_start3A_913] : memref<4x512xf32, #tpu.memory_space<vmem>> -> memref<1x512xf32, #tpu.memory_space<vmem>>
      %dma_start3A_915 = tpu.memref_squeeze %dma_start3A_914 : memref<1x512xf32, #tpu.memory_space<vmem>> -> memref<512xf32, #tpu.memory_space<vmem>>
      %dma_start3A_916 = arith.constant 0 : i32
      %dma_start3A_917 = tpu.memref_slice %arg5[%run_scoped3A_581, %dma_start3A_916] : memref<4x16384xf32, #tpu.memory_space<hbm>> -> memref<1x16384xf32, #tpu.memory_space<hbm>>
      %dma_start3A_918 = tpu.memref_squeeze %dma_start3A_917 : memref<1x16384xf32, #tpu.memory_space<hbm>> -> memref<16384xf32, #tpu.memory_space<hbm>>
      %dma_start3A_919 = tpu.memref_slice %dma_start3A_918[%mul3A_2] : memref<16384xf32, #tpu.memory_space<hbm>> -> memref<512xf32, #tpu.memory_space<hbm>>
      %dma_start3A_920 = arith.constant 0 : i32
      %dma_start3A_921 = tpu.memref_slice %arg5[%run_scoped3A_581, %dma_start3A_920] : memref<4x16384xf32, #tpu.memory_space<hbm>> -> memref<1x16384xf32, #tpu.memory_space<hbm>>
      %dma_start3A_922 = tpu.memref_squeeze %dma_start3A_921 : memref<1x16384xf32, #tpu.memory_space<hbm>> -> memref<16384xf32, #tpu.memory_space<hbm>>
      %dma_start3A_923 = tpu.memref_slice %dma_start3A_922[%mul3A_2] : memref<16384xf32, #tpu.memory_space<hbm>> -> memref<512xf32, #tpu.memory_space<hbm>>
      %dma_start3A_924 = arith.constant 0 : i32
      %dma_start3A_925 = tpu.memref_slice %arg8[%run_scoped3A_580, %dma_start3A_924] : memref<4x512xf32, #tpu.memory_space<vmem>> -> memref<1x512xf32, #tpu.memory_space<vmem>>
      %dma_start3A_926 = tpu.memref_squeeze %dma_start3A_925 : memref<1x512xf32, #tpu.memory_space<vmem>> -> memref<512xf32, #tpu.memory_space<vmem>>
      tpu.enqueue_dma source(%dma_start3A_926 : memref<512xf32, #tpu.memory_space<vmem>>) target(%dma_start3A_923 : memref<512xf32, #tpu.memory_space<hbm>>) target_semaphore(%run_scoped3A_912 : memref<!tpu.dma_semaphore, #tpu.memory_space<semaphore_mem>>)
      %dma_wait3A_927 = arith.constant 0 : i32
      %dma_wait3A_928 = tpu.memref_slice %arg8[%run_scoped3A_580, %dma_wait3A_927] : memref<4x512xf32, #tpu.memory_space<vmem>> -> memref<1x512xf32, #tpu.memory_space<vmem>>
      %dma_wait3A_929 = tpu.memref_squeeze %dma_wait3A_928 : memref<1x512xf32, #tpu.memory_space<vmem>> -> memref<512xf32, #tpu.memory_space<vmem>>
      %dma_wait3A_930 = arith.constant 0 : i32
      %dma_wait3A_931 = tpu.memref_slice %arg5[%run_scoped3A_581, %dma_wait3A_930] : memref<4x16384xf32, #tpu.memory_space<hbm>> -> memref<1x16384xf32, #tpu.memory_space<hbm>>
      %dma_wait3A_932 = tpu.memref_squeeze %dma_wait3A_931 : memref<1x16384xf32, #tpu.memory_space<hbm>> -> memref<16384xf32, #tpu.memory_space<hbm>>
      %dma_wait3A_933 = tpu.memref_slice %dma_wait3A_932[%mul3A_2] : memref<16384xf32, #tpu.memory_space<hbm>> -> memref<512xf32, #tpu.memory_space<hbm>>
      %dma_wait3A_934 = arith.constant 0 : i32
      %dma_wait3A_935 = tpu.memref_slice %arg5[%run_scoped3A_581, %dma_wait3A_934] : memref<4x16384xf32, #tpu.memory_space<hbm>> -> memref<1x16384xf32, #tpu.memory_space<hbm>>
      %dma_wait3A_936 = tpu.memref_squeeze %dma_wait3A_935 : memref<1x16384xf32, #tpu.memory_space<hbm>> -> memref<16384xf32, #tpu.memory_space<hbm>>
      %dma_wait3A_937 = tpu.memref_slice %dma_wait3A_936[%mul3A_2] : memref<16384xf32, #tpu.memory_space<hbm>> -> memref<512xf32, #tpu.memory_space<hbm>>
      %dma_wait3A_938 = arith.constant 0 : i32
      %dma_wait3A_939 = tpu.memref_slice %arg8[%run_scoped3A_580, %dma_wait3A_938] : memref<4x512xf32, #tpu.memory_space<vmem>> -> memref<1x512xf32, #tpu.memory_space<vmem>>
      %dma_wait3A_940 = tpu.memref_squeeze %dma_wait3A_939 : memref<1x512xf32, #tpu.memory_space<vmem>> -> memref<512xf32, #tpu.memory_space<vmem>>
      tpu.wait_dma2 semaphore(%run_scoped3A_912 : memref<!tpu.dma_semaphore, #tpu.memory_space<semaphore_mem>>) src(%dma_wait3A_940 : memref<512xf32, #tpu.memory_space<vmem>>) dst(%dma_wait3A_937 : memref<512xf32, #tpu.memory_space<hbm>>)
      tpu.yield
    }) : () -> ()
    %dma_wait3A_582 = arith.constant 2 : i32
    %dma_wait3A_583 = arith.constant 0 : i32
    %dma_wait3A_584 = arith.constant 2 : i32
    %dma_wait3A_585 = arith.constant 0 : i32
    %dma_wait3A_586 = tpu.memref_slice %arg8[%dma_wait3A_584, %dma_wait3A_585] : memref<4x512xf32, #tpu.memory_space<vmem>> -> memref<1x512xf32, #tpu.memory_space<vmem>>
    %dma_wait3A_587 = tpu.memref_squeeze %dma_wait3A_586 : memref<1x512xf32, #tpu.memory_space<vmem>> -> memref<512xf32, #tpu.memory_space<vmem>>
    %dma_wait3A_588 = arith.constant 0 : i32
    %dma_wait3A_589 = tpu.memref_slice %dma_wait3A_587[%dma_wait3A_588] : memref<512xf32, #tpu.memory_space<vmem>> -> memref<128xf32, #tpu.memory_space<vmem>>
    %dma_wait3A_590 = arith.constant 0 : i32
    %dma_wait3A_591 = tpu.memref_slice %arg7[%dma_wait3A_583, %dma_wait3A_590] : memref<4x128xi32, #tpu.memory_space<vmem>> -> memref<1x128xi32, #tpu.memory_space<vmem>>
    %dma_wait3A_592 = tpu.memref_squeeze %dma_wait3A_591 : memref<1x128xi32, #tpu.memory_space<vmem>> -> memref<128xi32, #tpu.memory_space<vmem>>
    %dma_wait3A_593 = arith.constant 0 : i32
    %dma_wait3A_594 = tpu.memref_slice %arg2[%dma_wait3A_582, %dma_wait3A_593] : memref<4x100000xf32, #tpu.memory_space<hbm>> -> memref<1x100000xf32, #tpu.memory_space<hbm>>
    %dma_wait3A_595 = tpu.memref_squeeze %dma_wait3A_594 : memref<1x100000xf32, #tpu.memory_space<hbm>> -> memref<100000xf32, #tpu.memory_space<hbm>>
    %dma_wait3A_596 = arith.constant 0 : i32
    %dma_wait3A_597 = tpu.memref_slice %dma_wait3A_595[%dma_wait3A_596] : memref<100000xf32, #tpu.memory_space<hbm>> -> memref<100000xf32, #tpu.memory_space<hbm>>
    tpu.wait_indirect_dma semaphore(%arg10 : memref<!tpu.dma_semaphore, #tpu.memory_space<semaphore_mem>>) src(%dma_wait3A_597 : memref<100000xf32, #tpu.memory_space<hbm>>) dst(%dma_wait3A_589 : memref<128xf32, #tpu.memory_space<vmem>>)
    %dma_wait3A_598 = arith.constant 2 : i32
    %dma_wait3A_599 = arith.constant 1 : i32
    %dma_wait3A_600 = arith.constant 2 : i32
    %dma_wait3A_601 = arith.constant 0 : i32
    %dma_wait3A_602 = tpu.memref_slice %arg8[%dma_wait3A_600, %dma_wait3A_601] : memref<4x512xf32, #tpu.memory_space<vmem>> -> memref<1x512xf32, #tpu.memory_space<vmem>>
    %dma_wait3A_603 = tpu.memref_squeeze %dma_wait3A_602 : memref<1x512xf32, #tpu.memory_space<vmem>> -> memref<512xf32, #tpu.memory_space<vmem>>
    %dma_wait3A_604 = arith.constant 128 : i32
    %dma_wait3A_605 = tpu.memref_slice %dma_wait3A_603[%dma_wait3A_604] : memref<512xf32, #tpu.memory_space<vmem>> -> memref<128xf32, #tpu.memory_space<vmem>>
    %dma_wait3A_606 = arith.constant 0 : i32
    %dma_wait3A_607 = tpu.memref_slice %arg7[%dma_wait3A_599, %dma_wait3A_606] : memref<4x128xi32, #tpu.memory_space<vmem>> -> memref<1x128xi32, #tpu.memory_space<vmem>>
    %dma_wait3A_608 = tpu.memref_squeeze %dma_wait3A_607 : memref<1x128xi32, #tpu.memory_space<vmem>> -> memref<128xi32, #tpu.memory_space<vmem>>
    %dma_wait3A_609 = arith.constant 0 : i32
    %dma_wait3A_610 = tpu.memref_slice %arg2[%dma_wait3A_598, %dma_wait3A_609] : memref<4x100000xf32, #tpu.memory_space<hbm>> -> memref<1x100000xf32, #tpu.memory_space<hbm>>
    %dma_wait3A_611 = tpu.memref_squeeze %dma_wait3A_610 : memref<1x100000xf32, #tpu.memory_space<hbm>> -> memref<100000xf32, #tpu.memory_space<hbm>>
    %dma_wait3A_612 = arith.constant 0 : i32
    %dma_wait3A_613 = tpu.memref_slice %dma_wait3A_611[%dma_wait3A_612] : memref<100000xf32, #tpu.memory_space<hbm>> -> memref<100000xf32, #tpu.memory_space<hbm>>
    tpu.wait_indirect_dma semaphore(%arg10 : memref<!tpu.dma_semaphore, #tpu.memory_space<semaphore_mem>>) src(%dma_wait3A_613 : memref<100000xf32, #tpu.memory_space<hbm>>) dst(%dma_wait3A_605 : memref<128xf32, #tpu.memory_space<vmem>>)
    %dma_wait3A_614 = arith.constant 2 : i32
    %dma_wait3A_615 = arith.constant 2 : i32
    %dma_wait3A_616 = arith.constant 2 : i32
    %dma_wait3A_617 = arith.constant 0 : i32
    %dma_wait3A_618 = tpu.memref_slice %arg8[%dma_wait3A_616, %dma_wait3A_617] : memref<4x512xf32, #tpu.memory_space<vmem>> -> memref<1x512xf32, #tpu.memory_space<vmem>>
    %dma_wait3A_619 = tpu.memref_squeeze %dma_wait3A_618 : memref<1x512xf32, #tpu.memory_space<vmem>> -> memref<512xf32, #tpu.memory_space<vmem>>
    %dma_wait3A_620 = arith.constant 256 : i32
    %dma_wait3A_621 = tpu.memref_slice %dma_wait3A_619[%dma_wait3A_620] : memref<512xf32, #tpu.memory_space<vmem>> -> memref<128xf32, #tpu.memory_space<vmem>>
    %dma_wait3A_622 = arith.constant 0 : i32
    %dma_wait3A_623 = tpu.memref_slice %arg7[%dma_wait3A_615, %dma_wait3A_622] : memref<4x128xi32, #tpu.memory_space<vmem>> -> memref<1x128xi32, #tpu.memory_space<vmem>>
    %dma_wait3A_624 = tpu.memref_squeeze %dma_wait3A_623 : memref<1x128xi32, #tpu.memory_space<vmem>> -> memref<128xi32, #tpu.memory_space<vmem>>
    %dma_wait3A_625 = arith.constant 0 : i32
    %dma_wait3A_626 = tpu.memref_slice %arg2[%dma_wait3A_614, %dma_wait3A_625] : memref<4x100000xf32, #tpu.memory_space<hbm>> -> memref<1x100000xf32, #tpu.memory_space<hbm>>
    %dma_wait3A_627 = tpu.memref_squeeze %dma_wait3A_626 : memref<1x100000xf32, #tpu.memory_space<hbm>> -> memref<100000xf32, #tpu.memory_space<hbm>>
    %dma_wait3A_628 = arith.constant 0 : i32
    %dma_wait3A_629 = tpu.memref_slice %dma_wait3A_627[%dma_wait3A_628] : memref<100000xf32, #tpu.memory_space<hbm>> -> memref<100000xf32, #tpu.memory_space<hbm>>
    tpu.wait_indirect_dma semaphore(%arg10 : memref<!tpu.dma_semaphore, #tpu.memory_space<semaphore_mem>>) src(%dma_wait3A_629 : memref<100000xf32, #tpu.memory_space<hbm>>) dst(%dma_wait3A_621 : memref<128xf32, #tpu.memory_space<vmem>>)
    %dma_wait3A_630 = arith.constant 2 : i32
    %dma_wait3A_631 = arith.constant 3 : i32
    %dma_wait3A_632 = arith.constant 2 : i32
    %dma_wait3A_633 = arith.constant 0 : i32
    %dma_wait3A_634 = tpu.memref_slice %arg8[%dma_wait3A_632, %dma_wait3A_633] : memref<4x512xf32, #tpu.memory_space<vmem>> -> memref<1x512xf32, #tpu.memory_space<vmem>>
    %dma_wait3A_635 = tpu.memref_squeeze %dma_wait3A_634 : memref<1x512xf32, #tpu.memory_space<vmem>> -> memref<512xf32, #tpu.memory_space<vmem>>
    %dma_wait3A_636 = arith.constant 384 : i32
    %dma_wait3A_637 = tpu.memref_slice %dma_wait3A_635[%dma_wait3A_636] : memref<512xf32, #tpu.memory_space<vmem>> -> memref<128xf32, #tpu.memory_space<vmem>>
    %dma_wait3A_638 = arith.constant 0 : i32
    %dma_wait3A_639 = tpu.memref_slice %arg7[%dma_wait3A_631, %dma_wait3A_638] : memref<4x128xi32, #tpu.memory_space<vmem>> -> memref<1x128xi32, #tpu.memory_space<vmem>>
    %dma_wait3A_640 = tpu.memref_squeeze %dma_wait3A_639 : memref<1x128xi32, #tpu.memory_space<vmem>> -> memref<128xi32, #tpu.memory_space<vmem>>
    %dma_wait3A_641 = arith.constant 0 : i32
    %dma_wait3A_642 = tpu.memref_slice %arg2[%dma_wait3A_630, %dma_wait3A_641] : memref<4x100000xf32, #tpu.memory_space<hbm>> -> memref<1x100000xf32, #tpu.memory_space<hbm>>
    %dma_wait3A_643 = tpu.memref_squeeze %dma_wait3A_642 : memref<1x100000xf32, #tpu.memory_space<hbm>> -> memref<100000xf32, #tpu.memory_space<hbm>>
    %dma_wait3A_644 = arith.constant 0 : i32
    %dma_wait3A_645 = tpu.memref_slice %dma_wait3A_643[%dma_wait3A_644] : memref<100000xf32, #tpu.memory_space<hbm>> -> memref<100000xf32, #tpu.memory_space<hbm>>
    tpu.wait_indirect_dma semaphore(%arg10 : memref<!tpu.dma_semaphore, #tpu.memory_space<semaphore_mem>>) src(%dma_wait3A_645 : memref<100000xf32, #tpu.memory_space<hbm>>) dst(%dma_wait3A_637 : memref<128xf32, #tpu.memory_space<vmem>>)
    %run_scoped3A_646 = arith.constant 2 : i32
    %run_scoped3A_647 = arith.constant 2 : i32
    "tpu.region"() ({
      %run_scoped3A_912 = tpu.sem_alloc : memref<!tpu.dma_semaphore, #tpu.memory_space<semaphore_mem>>
      %dma_start3A_913 = arith.constant 0 : i32
      %dma_start3A_914 = tpu.memref_slice %arg8[%run_scoped3A_646, %dma_start3A_913] : memref<4x512xf32, #tpu.memory_space<vmem>> -> memref<1x512xf32, #tpu.memory_space<vmem>>
      %dma_start3A_915 = tpu.memref_squeeze %dma_start3A_914 : memref<1x512xf32, #tpu.memory_space<vmem>> -> memref<512xf32, #tpu.memory_space<vmem>>
      %dma_start3A_916 = arith.constant 0 : i32
      %dma_start3A_917 = tpu.memref_slice %arg5[%run_scoped3A_647, %dma_start3A_916] : memref<4x16384xf32, #tpu.memory_space<hbm>> -> memref<1x16384xf32, #tpu.memory_space<hbm>>
      %dma_start3A_918 = tpu.memref_squeeze %dma_start3A_917 : memref<1x16384xf32, #tpu.memory_space<hbm>> -> memref<16384xf32, #tpu.memory_space<hbm>>
      %dma_start3A_919 = tpu.memref_slice %dma_start3A_918[%mul3A_2] : memref<16384xf32, #tpu.memory_space<hbm>> -> memref<512xf32, #tpu.memory_space<hbm>>
      %dma_start3A_920 = arith.constant 0 : i32
      %dma_start3A_921 = tpu.memref_slice %arg5[%run_scoped3A_647, %dma_start3A_920] : memref<4x16384xf32, #tpu.memory_space<hbm>> -> memref<1x16384xf32, #tpu.memory_space<hbm>>
      %dma_start3A_922 = tpu.memref_squeeze %dma_start3A_921 : memref<1x16384xf32, #tpu.memory_space<hbm>> -> memref<16384xf32, #tpu.memory_space<hbm>>
      %dma_start3A_923 = tpu.memref_slice %dma_start3A_922[%mul3A_2] : memref<16384xf32, #tpu.memory_space<hbm>> -> memref<512xf32, #tpu.memory_space<hbm>>
      %dma_start3A_924 = arith.constant 0 : i32
      %dma_start3A_925 = tpu.memref_slice %arg8[%run_scoped3A_646, %dma_start3A_924] : memref<4x512xf32, #tpu.memory_space<vmem>> -> memref<1x512xf32, #tpu.memory_space<vmem>>
      %dma_start3A_926 = tpu.memref_squeeze %dma_start3A_925 : memref<1x512xf32, #tpu.memory_space<vmem>> -> memref<512xf32, #tpu.memory_space<vmem>>
      tpu.enqueue_dma source(%dma_start3A_926 : memref<512xf32, #tpu.memory_space<vmem>>) target(%dma_start3A_923 : memref<512xf32, #tpu.memory_space<hbm>>) target_semaphore(%run_scoped3A_912 : memref<!tpu.dma_semaphore, #tpu.memory_space<semaphore_mem>>)
      %dma_wait3A_927 = arith.constant 0 : i32
      %dma_wait3A_928 = tpu.memref_slice %arg8[%run_scoped3A_646, %dma_wait3A_927] : memref<4x512xf32, #tpu.memory_space<vmem>> -> memref<1x512xf32, #tpu.memory_space<vmem>>
      %dma_wait3A_929 = tpu.memref_squeeze %dma_wait3A_928 : memref<1x512xf32, #tpu.memory_space<vmem>> -> memref<512xf32, #tpu.memory_space<vmem>>
      %dma_wait3A_930 = arith.constant 0 : i32
      %dma_wait3A_931 = tpu.memref_slice %arg5[%run_scoped3A_647, %dma_wait3A_930] : memref<4x16384xf32, #tpu.memory_space<hbm>> -> memref<1x16384xf32, #tpu.memory_space<hbm>>
      %dma_wait3A_932 = tpu.memref_squeeze %dma_wait3A_931 : memref<1x16384xf32, #tpu.memory_space<hbm>> -> memref<16384xf32, #tpu.memory_space<hbm>>
      %dma_wait3A_933 = tpu.memref_slice %dma_wait3A_932[%mul3A_2] : memref<16384xf32, #tpu.memory_space<hbm>> -> memref<512xf32, #tpu.memory_space<hbm>>
      %dma_wait3A_934 = arith.constant 0 : i32
      %dma_wait3A_935 = tpu.memref_slice %arg5[%run_scoped3A_647, %dma_wait3A_934] : memref<4x16384xf32, #tpu.memory_space<hbm>> -> memref<1x16384xf32, #tpu.memory_space<hbm>>
      %dma_wait3A_936 = tpu.memref_squeeze %dma_wait3A_935 : memref<1x16384xf32, #tpu.memory_space<hbm>> -> memref<16384xf32, #tpu.memory_space<hbm>>
      %dma_wait3A_937 = tpu.memref_slice %dma_wait3A_936[%mul3A_2] : memref<16384xf32, #tpu.memory_space<hbm>> -> memref<512xf32, #tpu.memory_space<hbm>>
      %dma_wait3A_938 = arith.constant 0 : i32
      %dma_wait3A_939 = tpu.memref_slice %arg8[%run_scoped3A_646, %dma_wait3A_938] : memref<4x512xf32, #tpu.memory_space<vmem>> -> memref<1x512xf32, #tpu.memory_space<vmem>>
      %dma_wait3A_940 = tpu.memref_squeeze %dma_wait3A_939 : memref<1x512xf32, #tpu.memory_space<vmem>> -> memref<512xf32, #tpu.memory_space<vmem>>
      tpu.wait_dma2 semaphore(%run_scoped3A_912 : memref<!tpu.dma_semaphore, #tpu.memory_space<semaphore_mem>>) src(%dma_wait3A_940 : memref<512xf32, #tpu.memory_space<vmem>>) dst(%dma_wait3A_937 : memref<512xf32, #tpu.memory_space<hbm>>)
      tpu.yield
    }) : () -> ()
    %dma_wait3A_648 = arith.constant 3 : i32
    %dma_wait3A_649 = arith.constant 0 : i32
    %dma_wait3A_650 = arith.constant 3 : i32
    %dma_wait3A_651 = arith.constant 0 : i32
    %dma_wait3A_652 = tpu.memref_slice %arg8[%dma_wait3A_650, %dma_wait3A_651] : memref<4x512xf32, #tpu.memory_space<vmem>> -> memref<1x512xf32, #tpu.memory_space<vmem>>
    %dma_wait3A_653 = tpu.memref_squeeze %dma_wait3A_652 : memref<1x512xf32, #tpu.memory_space<vmem>> -> memref<512xf32, #tpu.memory_space<vmem>>
    %dma_wait3A_654 = arith.constant 0 : i32
    %dma_wait3A_655 = tpu.memref_slice %dma_wait3A_653[%dma_wait3A_654] : memref<512xf32, #tpu.memory_space<vmem>> -> memref<128xf32, #tpu.memory_space<vmem>>
    %dma_wait3A_656 = arith.constant 0 : i32
    %dma_wait3A_657 = tpu.memref_slice %arg7[%dma_wait3A_649, %dma_wait3A_656] : memref<4x128xi32, #tpu.memory_space<vmem>> -> memref<1x128xi32, #tpu.memory_space<vmem>>
    %dma_wait3A_658 = tpu.memref_squeeze %dma_wait3A_657 : memref<1x128xi32, #tpu.memory_space<vmem>> -> memref<128xi32, #tpu.memory_space<vmem>>
    %dma_wait3A_659 = arith.constant 0 : i32
    %dma_wait3A_660 = tpu.memref_slice %arg2[%dma_wait3A_648, %dma_wait3A_659] : memref<4x100000xf32, #tpu.memory_space<hbm>> -> memref<1x100000xf32, #tpu.memory_space<hbm>>
    %dma_wait3A_661 = tpu.memref_squeeze %dma_wait3A_660 : memref<1x100000xf32, #tpu.memory_space<hbm>> -> memref<100000xf32, #tpu.memory_space<hbm>>
    %dma_wait3A_662 = arith.constant 0 : i32
    %dma_wait3A_663 = tpu.memref_slice %dma_wait3A_661[%dma_wait3A_662] : memref<100000xf32, #tpu.memory_space<hbm>> -> memref<100000xf32, #tpu.memory_space<hbm>>
    tpu.wait_indirect_dma semaphore(%arg10 : memref<!tpu.dma_semaphore, #tpu.memory_space<semaphore_mem>>) src(%dma_wait3A_663 : memref<100000xf32, #tpu.memory_space<hbm>>) dst(%dma_wait3A_655 : memref<128xf32, #tpu.memory_space<vmem>>)
    %dma_wait3A_664 = arith.constant 3 : i32
    %dma_wait3A_665 = arith.constant 1 : i32
    %dma_wait3A_666 = arith.constant 3 : i32
    %dma_wait3A_667 = arith.constant 0 : i32
    %dma_wait3A_668 = tpu.memref_slice %arg8[%dma_wait3A_666, %dma_wait3A_667] : memref<4x512xf32, #tpu.memory_space<vmem>> -> memref<1x512xf32, #tpu.memory_space<vmem>>
    %dma_wait3A_669 = tpu.memref_squeeze %dma_wait3A_668 : memref<1x512xf32, #tpu.memory_space<vmem>> -> memref<512xf32, #tpu.memory_space<vmem>>
    %dma_wait3A_670 = arith.constant 128 : i32
    %dma_wait3A_671 = tpu.memref_slice %dma_wait3A_669[%dma_wait3A_670] : memref<512xf32, #tpu.memory_space<vmem>> -> memref<128xf32, #tpu.memory_space<vmem>>
    %dma_wait3A_672 = arith.constant 0 : i32
    %dma_wait3A_673 = tpu.memref_slice %arg7[%dma_wait3A_665, %dma_wait3A_672] : memref<4x128xi32, #tpu.memory_space<vmem>> -> memref<1x128xi32, #tpu.memory_space<vmem>>
    %dma_wait3A_674 = tpu.memref_squeeze %dma_wait3A_673 : memref<1x128xi32, #tpu.memory_space<vmem>> -> memref<128xi32, #tpu.memory_space<vmem>>
    %dma_wait3A_675 = arith.constant 0 : i32
    %dma_wait3A_676 = tpu.memref_slice %arg2[%dma_wait3A_664, %dma_wait3A_675] : memref<4x100000xf32, #tpu.memory_space<hbm>> -> memref<1x100000xf32, #tpu.memory_space<hbm>>
    %dma_wait3A_677 = tpu.memref_squeeze %dma_wait3A_676 : memref<1x100000xf32, #tpu.memory_space<hbm>> -> memref<100000xf32, #tpu.memory_space<hbm>>
    %dma_wait3A_678 = arith.constant 0 : i32
    %dma_wait3A_679 = tpu.memref_slice %dma_wait3A_677[%dma_wait3A_678] : memref<100000xf32, #tpu.memory_space<hbm>> -> memref<100000xf32, #tpu.memory_space<hbm>>
    tpu.wait_indirect_dma semaphore(%arg10 : memref<!tpu.dma_semaphore, #tpu.memory_space<semaphore_mem>>) src(%dma_wait3A_679 : memref<100000xf32, #tpu.memory_space<hbm>>) dst(%dma_wait3A_671 : memref<128xf32, #tpu.memory_space<vmem>>)
    %dma_wait3A_680 = arith.constant 3 : i32
    %dma_wait3A_681 = arith.constant 2 : i32
    %dma_wait3A_682 = arith.constant 3 : i32
    %dma_wait3A_683 = arith.constant 0 : i32
    %dma_wait3A_684 = tpu.memref_slice %arg8[%dma_wait3A_682, %dma_wait3A_683] : memref<4x512xf32, #tpu.memory_space<vmem>> -> memref<1x512xf32, #tpu.memory_space<vmem>>
    %dma_wait3A_685 = tpu.memref_squeeze %dma_wait3A_684 : memref<1x512xf32, #tpu.memory_space<vmem>> -> memref<512xf32, #tpu.memory_space<vmem>>
    %dma_wait3A_686 = arith.constant 256 : i32
    %dma_wait3A_687 = tpu.memref_slice %dma_wait3A_685[%dma_wait3A_686] : memref<512xf32, #tpu.memory_space<vmem>> -> memref<128xf32, #tpu.memory_space<vmem>>
    %dma_wait3A_688 = arith.constant 0 : i32
    %dma_wait3A_689 = tpu.memref_slice %arg7[%dma_wait3A_681, %dma_wait3A_688] : memref<4x128xi32, #tpu.memory_space<vmem>> -> memref<1x128xi32, #tpu.memory_space<vmem>>
    %dma_wait3A_690 = tpu.memref_squeeze %dma_wait3A_689 : memref<1x128xi32, #tpu.memory_space<vmem>> -> memref<128xi32, #tpu.memory_space<vmem>>
    %dma_wait3A_691 = arith.constant 0 : i32
    %dma_wait3A_692 = tpu.memref_slice %arg2[%dma_wait3A_680, %dma_wait3A_691] : memref<4x100000xf32, #tpu.memory_space<hbm>> -> memref<1x100000xf32, #tpu.memory_space<hbm>>
    %dma_wait3A_693 = tpu.memref_squeeze %dma_wait3A_692 : memref<1x100000xf32, #tpu.memory_space<hbm>> -> memref<100000xf32, #tpu.memory_space<hbm>>
    %dma_wait3A_694 = arith.constant 0 : i32
    %dma_wait3A_695 = tpu.memref_slice %dma_wait3A_693[%dma_wait3A_694] : memref<100000xf32, #tpu.memory_space<hbm>> -> memref<100000xf32, #tpu.memory_space<hbm>>
    tpu.wait_indirect_dma semaphore(%arg10 : memref<!tpu.dma_semaphore, #tpu.memory_space<semaphore_mem>>) src(%dma_wait3A_695 : memref<100000xf32, #tpu.memory_space<hbm>>) dst(%dma_wait3A_687 : memref<128xf32, #tpu.memory_space<vmem>>)
    %dma_wait3A_696 = arith.constant 3 : i32
    %dma_wait3A_697 = arith.constant 3 : i32
    %dma_wait3A_698 = arith.constant 3 : i32
    %dma_wait3A_699 = arith.constant 0 : i32
    %dma_wait3A_700 = tpu.memref_slice %arg8[%dma_wait3A_698, %dma_wait3A_699] : memref<4x512xf32, #tpu.memory_space<vmem>> -> memref<1x512xf32, #tpu.memory_space<vmem>>
    %dma_wait3A_701 = tpu.memref_squeeze %dma_wait3A_700 : memref<1x512xf32, #tpu.memory_space<vmem>> -> memref<512xf32, #tpu.memory_space<vmem>>
    %dma_wait3A_702 = arith.constant 384 : i32
    %dma_wait3A_703 = tpu.memref_slice %dma_wait3A_701[%dma_wait3A_702] : memref<512xf32, #tpu.memory_space<vmem>> -> memref<128xf32, #tpu.memory_space<vmem>>
    %dma_wait3A_704 = arith.constant 0 : i32
    %dma_wait3A_705 = tpu.memref_slice %arg7[%dma_wait3A_697, %dma_wait3A_704] : memref<4x128xi32, #tpu.memory_space<vmem>> -> memref<1x128xi32, #tpu.memory_space<vmem>>
    %dma_wait3A_706 = tpu.memref_squeeze %dma_wait3A_705 : memref<1x128xi32, #tpu.memory_space<vmem>> -> memref<128xi32, #tpu.memory_space<vmem>>
    %dma_wait3A_707 = arith.constant 0 : i32
    %dma_wait3A_708 = tpu.memref_slice %arg2[%dma_wait3A_696, %dma_wait3A_707] : memref<4x100000xf32, #tpu.memory_space<hbm>> -> memref<1x100000xf32, #tpu.memory_space<hbm>>
    %dma_wait3A_709 = tpu.memref_squeeze %dma_wait3A_708 : memref<1x100000xf32, #tpu.memory_space<hbm>> -> memref<100000xf32, #tpu.memory_space<hbm>>
    %dma_wait3A_710 = arith.constant 0 : i32
    %dma_wait3A_711 = tpu.memref_slice %dma_wait3A_709[%dma_wait3A_710] : memref<100000xf32, #tpu.memory_space<hbm>> -> memref<100000xf32, #tpu.memory_space<hbm>>
    tpu.wait_indirect_dma semaphore(%arg10 : memref<!tpu.dma_semaphore, #tpu.memory_space<semaphore_mem>>) src(%dma_wait3A_711 : memref<100000xf32, #tpu.memory_space<hbm>>) dst(%dma_wait3A_703 : memref<128xf32, #tpu.memory_space<vmem>>)
    %run_scoped3A_712 = arith.constant 3 : i32
    %run_scoped3A_713 = arith.constant 3 : i32
    "tpu.region"() ({
      %run_scoped3A_912 = tpu.sem_alloc : memref<!tpu.dma_semaphore, #tpu.memory_space<semaphore_mem>>
      %dma_start3A_913 = arith.constant 0 : i32
      %dma_start3A_914 = tpu.memref_slice %arg8[%run_scoped3A_712, %dma_start3A_913] : memref<4x512xf32, #tpu.memory_space<vmem>> -> memref<1x512xf32, #tpu.memory_space<vmem>>
      %dma_start3A_915 = tpu.memref_squeeze %dma_start3A_914 : memref<1x512xf32, #tpu.memory_space<vmem>> -> memref<512xf32, #tpu.memory_space<vmem>>
      %dma_start3A_916 = arith.constant 0 : i32
      %dma_start3A_917 = tpu.memref_slice %arg5[%run_scoped3A_713, %dma_start3A_916] : memref<4x16384xf32, #tpu.memory_space<hbm>> -> memref<1x16384xf32, #tpu.memory_space<hbm>>
      %dma_start3A_918 = tpu.memref_squeeze %dma_start3A_917 : memref<1x16384xf32, #tpu.memory_space<hbm>> -> memref<16384xf32, #tpu.memory_space<hbm>>
      %dma_start3A_919 = tpu.memref_slice %dma_start3A_918[%mul3A_2] : memref<16384xf32, #tpu.memory_space<hbm>> -> memref<512xf32, #tpu.memory_space<hbm>>
      %dma_start3A_920 = arith.constant 0 : i32
      %dma_start3A_921 = tpu.memref_slice %arg5[%run_scoped3A_713, %dma_start3A_920] : memref<4x16384xf32, #tpu.memory_space<hbm>> -> memref<1x16384xf32, #tpu.memory_space<hbm>>
      %dma_start3A_922 = tpu.memref_squeeze %dma_start3A_921 : memref<1x16384xf32, #tpu.memory_space<hbm>> -> memref<16384xf32, #tpu.memory_space<hbm>>
      %dma_start3A_923 = tpu.memref_slice %dma_start3A_922[%mul3A_2] : memref<16384xf32, #tpu.memory_space<hbm>> -> memref<512xf32, #tpu.memory_space<hbm>>
      %dma_start3A_924 = arith.constant 0 : i32
      %dma_start3A_925 = tpu.memref_slice %arg8[%run_scoped3A_712, %dma_start3A_924] : memref<4x512xf32, #tpu.memory_space<vmem>> -> memref<1x512xf32, #tpu.memory_space<vmem>>
      %dma_start3A_926 = tpu.memref_squeeze %dma_start3A_925 : memref<1x512xf32, #tpu.memory_space<vmem>> -> memref<512xf32, #tpu.memory_space<vmem>>
      tpu.enqueue_dma source(%dma_start3A_926 : memref<512xf32, #tpu.memory_space<vmem>>) target(%dma_start3A_923 : memref<512xf32, #tpu.memory_space<hbm>>) target_semaphore(%run_scoped3A_912 : memref<!tpu.dma_semaphore, #tpu.memory_space<semaphore_mem>>)
      %dma_wait3A_927 = arith.constant 0 : i32
      %dma_wait3A_928 = tpu.memref_slice %arg8[%run_scoped3A_712, %dma_wait3A_927] : memref<4x512xf32, #tpu.memory_space<vmem>> -> memref<1x512xf32, #tpu.memory_space<vmem>>
      %dma_wait3A_929 = tpu.memref_squeeze %dma_wait3A_928 : memref<1x512xf32, #tpu.memory_space<vmem>> -> memref<512xf32, #tpu.memory_space<vmem>>
      %dma_wait3A_930 = arith.constant 0 : i32
      %dma_wait3A_931 = tpu.memref_slice %arg5[%run_scoped3A_713, %dma_wait3A_930] : memref<4x16384xf32, #tpu.memory_space<hbm>> -> memref<1x16384xf32, #tpu.memory_space<hbm>>
      %dma_wait3A_932 = tpu.memref_squeeze %dma_wait3A_931 : memref<1x16384xf32, #tpu.memory_space<hbm>> -> memref<16384xf32, #tpu.memory_space<hbm>>
      %dma_wait3A_933 = tpu.memref_slice %dma_wait3A_932[%mul3A_2] : memref<16384xf32, #tpu.memory_space<hbm>> -> memref<512xf32, #tpu.memory_space<hbm>>
      %dma_wait3A_934 = arith.constant 0 : i32
      %dma_wait3A_935 = tpu.memref_slice %arg5[%run_scoped3A_713, %dma_wait3A_934] : memref<4x16384xf32, #tpu.memory_space<hbm>> -> memref<1x16384xf32, #tpu.memory_space<hbm>>
      %dma_wait3A_936 = tpu.memref_squeeze %dma_wait3A_935 : memref<1x16384xf32, #tpu.memory_space<hbm>> -> memref<16384xf32, #tpu.memory_space<hbm>>
      %dma_wait3A_937 = tpu.memref_slice %dma_wait3A_936[%mul3A_2] : memref<16384xf32, #tpu.memory_space<hbm>> -> memref<512xf32, #tpu.memory_space<hbm>>
      %dma_wait3A_938 = arith.constant 0 : i32
      %dma_wait3A_939 = tpu.memref_slice %arg8[%run_scoped3A_712, %dma_wait3A_938] : memref<4x512xf32, #tpu.memory_space<vmem>> -> memref<1x512xf32, #tpu.memory_space<vmem>>
      %dma_wait3A_940 = tpu.memref_squeeze %dma_wait3A_939 : memref<1x512xf32, #tpu.memory_space<vmem>> -> memref<512xf32, #tpu.memory_space<vmem>>
      tpu.wait_dma2 semaphore(%run_scoped3A_912 : memref<!tpu.dma_semaphore, #tpu.memory_space<semaphore_mem>>) src(%dma_wait3A_940 : memref<512xf32, #tpu.memory_space<vmem>>) dst(%dma_wait3A_937 : memref<512xf32, #tpu.memory_space<hbm>>)
      tpu.yield
    }) : () -> ()
    %dma_wait3A_714 = arith.constant 0 : i32
    %dma_wait3A_715 = arith.constant 0 : i32
    %dma_wait3A_716 = arith.constant 0 : i32
    %dma_wait3A_717 = arith.constant 0 : i32
    %dma_wait3A_718 = tpu.memref_slice %arg9[%dma_wait3A_716, %dma_wait3A_717] : memref<3x512xf32, #tpu.memory_space<vmem>> -> memref<1x512xf32, #tpu.memory_space<vmem>>
    %dma_wait3A_719 = tpu.memref_squeeze %dma_wait3A_718 : memref<1x512xf32, #tpu.memory_space<vmem>> -> memref<512xf32, #tpu.memory_space<vmem>>
    %dma_wait3A_720 = arith.constant 0 : i32
    %dma_wait3A_721 = tpu.memref_slice %dma_wait3A_719[%dma_wait3A_720] : memref<512xf32, #tpu.memory_space<vmem>> -> memref<128xf32, #tpu.memory_space<vmem>>
    %dma_wait3A_722 = arith.constant 0 : i32
    %dma_wait3A_723 = tpu.memref_slice %arg7[%dma_wait3A_715, %dma_wait3A_722] : memref<4x128xi32, #tpu.memory_space<vmem>> -> memref<1x128xi32, #tpu.memory_space<vmem>>
    %dma_wait3A_724 = tpu.memref_squeeze %dma_wait3A_723 : memref<1x128xi32, #tpu.memory_space<vmem>> -> memref<128xi32, #tpu.memory_space<vmem>>
    %dma_wait3A_725 = arith.constant 0 : i32
    %dma_wait3A_726 = tpu.memref_slice %arg3[%dma_wait3A_714, %dma_wait3A_725] : memref<3x100000xf32, #tpu.memory_space<hbm>> -> memref<1x100000xf32, #tpu.memory_space<hbm>>
    %dma_wait3A_727 = tpu.memref_squeeze %dma_wait3A_726 : memref<1x100000xf32, #tpu.memory_space<hbm>> -> memref<100000xf32, #tpu.memory_space<hbm>>
    %dma_wait3A_728 = arith.constant 0 : i32
    %dma_wait3A_729 = tpu.memref_slice %dma_wait3A_727[%dma_wait3A_728] : memref<100000xf32, #tpu.memory_space<hbm>> -> memref<100000xf32, #tpu.memory_space<hbm>>
    tpu.wait_indirect_dma semaphore(%arg11 : memref<!tpu.dma_semaphore, #tpu.memory_space<semaphore_mem>>) src(%dma_wait3A_729 : memref<100000xf32, #tpu.memory_space<hbm>>) dst(%dma_wait3A_721 : memref<128xf32, #tpu.memory_space<vmem>>)
    %dma_wait3A_730 = arith.constant 0 : i32
    %dma_wait3A_731 = arith.constant 1 : i32
    %dma_wait3A_732 = arith.constant 0 : i32
    %dma_wait3A_733 = arith.constant 0 : i32
    %dma_wait3A_734 = tpu.memref_slice %arg9[%dma_wait3A_732, %dma_wait3A_733] : memref<3x512xf32, #tpu.memory_space<vmem>> -> memref<1x512xf32, #tpu.memory_space<vmem>>
    %dma_wait3A_735 = tpu.memref_squeeze %dma_wait3A_734 : memref<1x512xf32, #tpu.memory_space<vmem>> -> memref<512xf32, #tpu.memory_space<vmem>>
    %dma_wait3A_736 = arith.constant 128 : i32
    %dma_wait3A_737 = tpu.memref_slice %dma_wait3A_735[%dma_wait3A_736] : memref<512xf32, #tpu.memory_space<vmem>> -> memref<128xf32, #tpu.memory_space<vmem>>
    %dma_wait3A_738 = arith.constant 0 : i32
    %dma_wait3A_739 = tpu.memref_slice %arg7[%dma_wait3A_731, %dma_wait3A_738] : memref<4x128xi32, #tpu.memory_space<vmem>> -> memref<1x128xi32, #tpu.memory_space<vmem>>
    %dma_wait3A_740 = tpu.memref_squeeze %dma_wait3A_739 : memref<1x128xi32, #tpu.memory_space<vmem>> -> memref<128xi32, #tpu.memory_space<vmem>>
    %dma_wait3A_741 = arith.constant 0 : i32
    %dma_wait3A_742 = tpu.memref_slice %arg3[%dma_wait3A_730, %dma_wait3A_741] : memref<3x100000xf32, #tpu.memory_space<hbm>> -> memref<1x100000xf32, #tpu.memory_space<hbm>>
    %dma_wait3A_743 = tpu.memref_squeeze %dma_wait3A_742 : memref<1x100000xf32, #tpu.memory_space<hbm>> -> memref<100000xf32, #tpu.memory_space<hbm>>
    %dma_wait3A_744 = arith.constant 0 : i32
    %dma_wait3A_745 = tpu.memref_slice %dma_wait3A_743[%dma_wait3A_744] : memref<100000xf32, #tpu.memory_space<hbm>> -> memref<100000xf32, #tpu.memory_space<hbm>>
    tpu.wait_indirect_dma semaphore(%arg11 : memref<!tpu.dma_semaphore, #tpu.memory_space<semaphore_mem>>) src(%dma_wait3A_745 : memref<100000xf32, #tpu.memory_space<hbm>>) dst(%dma_wait3A_737 : memref<128xf32, #tpu.memory_space<vmem>>)
    %dma_wait3A_746 = arith.constant 0 : i32
    %dma_wait3A_747 = arith.constant 2 : i32
    %dma_wait3A_748 = arith.constant 0 : i32
    %dma_wait3A_749 = arith.constant 0 : i32
    %dma_wait3A_750 = tpu.memref_slice %arg9[%dma_wait3A_748, %dma_wait3A_749] : memref<3x512xf32, #tpu.memory_space<vmem>> -> memref<1x512xf32, #tpu.memory_space<vmem>>
    %dma_wait3A_751 = tpu.memref_squeeze %dma_wait3A_750 : memref<1x512xf32, #tpu.memory_space<vmem>> -> memref<512xf32, #tpu.memory_space<vmem>>
    %dma_wait3A_752 = arith.constant 256 : i32
    %dma_wait3A_753 = tpu.memref_slice %dma_wait3A_751[%dma_wait3A_752] : memref<512xf32, #tpu.memory_space<vmem>> -> memref<128xf32, #tpu.memory_space<vmem>>
    %dma_wait3A_754 = arith.constant 0 : i32
    %dma_wait3A_755 = tpu.memref_slice %arg7[%dma_wait3A_747, %dma_wait3A_754] : memref<4x128xi32, #tpu.memory_space<vmem>> -> memref<1x128xi32, #tpu.memory_space<vmem>>
    %dma_wait3A_756 = tpu.memref_squeeze %dma_wait3A_755 : memref<1x128xi32, #tpu.memory_space<vmem>> -> memref<128xi32, #tpu.memory_space<vmem>>
    %dma_wait3A_757 = arith.constant 0 : i32
    %dma_wait3A_758 = tpu.memref_slice %arg3[%dma_wait3A_746, %dma_wait3A_757] : memref<3x100000xf32, #tpu.memory_space<hbm>> -> memref<1x100000xf32, #tpu.memory_space<hbm>>
    %dma_wait3A_759 = tpu.memref_squeeze %dma_wait3A_758 : memref<1x100000xf32, #tpu.memory_space<hbm>> -> memref<100000xf32, #tpu.memory_space<hbm>>
    %dma_wait3A_760 = arith.constant 0 : i32
    %dma_wait3A_761 = tpu.memref_slice %dma_wait3A_759[%dma_wait3A_760] : memref<100000xf32, #tpu.memory_space<hbm>> -> memref<100000xf32, #tpu.memory_space<hbm>>
    tpu.wait_indirect_dma semaphore(%arg11 : memref<!tpu.dma_semaphore, #tpu.memory_space<semaphore_mem>>) src(%dma_wait3A_761 : memref<100000xf32, #tpu.memory_space<hbm>>) dst(%dma_wait3A_753 : memref<128xf32, #tpu.memory_space<vmem>>)
    %dma_wait3A_762 = arith.constant 0 : i32
    %dma_wait3A_763 = arith.constant 3 : i32
    %dma_wait3A_764 = arith.constant 0 : i32
    %dma_wait3A_765 = arith.constant 0 : i32
    %dma_wait3A_766 = tpu.memref_slice %arg9[%dma_wait3A_764, %dma_wait3A_765] : memref<3x512xf32, #tpu.memory_space<vmem>> -> memref<1x512xf32, #tpu.memory_space<vmem>>
    %dma_wait3A_767 = tpu.memref_squeeze %dma_wait3A_766 : memref<1x512xf32, #tpu.memory_space<vmem>> -> memref<512xf32, #tpu.memory_space<vmem>>
    %dma_wait3A_768 = arith.constant 384 : i32
    %dma_wait3A_769 = tpu.memref_slice %dma_wait3A_767[%dma_wait3A_768] : memref<512xf32, #tpu.memory_space<vmem>> -> memref<128xf32, #tpu.memory_space<vmem>>
    %dma_wait3A_770 = arith.constant 0 : i32
    %dma_wait3A_771 = tpu.memref_slice %arg7[%dma_wait3A_763, %dma_wait3A_770] : memref<4x128xi32, #tpu.memory_space<vmem>> -> memref<1x128xi32, #tpu.memory_space<vmem>>
    %dma_wait3A_772 = tpu.memref_squeeze %dma_wait3A_771 : memref<1x128xi32, #tpu.memory_space<vmem>> -> memref<128xi32, #tpu.memory_space<vmem>>
    %dma_wait3A_773 = arith.constant 0 : i32
    %dma_wait3A_774 = tpu.memref_slice %arg3[%dma_wait3A_762, %dma_wait3A_773] : memref<3x100000xf32, #tpu.memory_space<hbm>> -> memref<1x100000xf32, #tpu.memory_space<hbm>>
    %dma_wait3A_775 = tpu.memref_squeeze %dma_wait3A_774 : memref<1x100000xf32, #tpu.memory_space<hbm>> -> memref<100000xf32, #tpu.memory_space<hbm>>
    %dma_wait3A_776 = arith.constant 0 : i32
    %dma_wait3A_777 = tpu.memref_slice %dma_wait3A_775[%dma_wait3A_776] : memref<100000xf32, #tpu.memory_space<hbm>> -> memref<100000xf32, #tpu.memory_space<hbm>>
    tpu.wait_indirect_dma semaphore(%arg11 : memref<!tpu.dma_semaphore, #tpu.memory_space<semaphore_mem>>) src(%dma_wait3A_777 : memref<100000xf32, #tpu.memory_space<hbm>>) dst(%dma_wait3A_769 : memref<128xf32, #tpu.memory_space<vmem>>)
    %run_scoped3A_778 = arith.constant 0 : i32
    %run_scoped3A_779 = arith.constant 0 : i32
    "tpu.region"() ({
      %run_scoped3A_912 = tpu.sem_alloc : memref<!tpu.dma_semaphore, #tpu.memory_space<semaphore_mem>>
      %dma_start3A_913 = arith.constant 0 : i32
      %dma_start3A_914 = tpu.memref_slice %arg9[%run_scoped3A_778, %dma_start3A_913] : memref<3x512xf32, #tpu.memory_space<vmem>> -> memref<1x512xf32, #tpu.memory_space<vmem>>
      %dma_start3A_915 = tpu.memref_squeeze %dma_start3A_914 : memref<1x512xf32, #tpu.memory_space<vmem>> -> memref<512xf32, #tpu.memory_space<vmem>>
      %dma_start3A_916 = arith.constant 0 : i32
      %dma_start3A_917 = tpu.memref_slice %arg6[%run_scoped3A_779, %dma_start3A_916] : memref<3x16384xf32, #tpu.memory_space<hbm>> -> memref<1x16384xf32, #tpu.memory_space<hbm>>
      %dma_start3A_918 = tpu.memref_squeeze %dma_start3A_917 : memref<1x16384xf32, #tpu.memory_space<hbm>> -> memref<16384xf32, #tpu.memory_space<hbm>>
      %dma_start3A_919 = tpu.memref_slice %dma_start3A_918[%mul3A_2] : memref<16384xf32, #tpu.memory_space<hbm>> -> memref<512xf32, #tpu.memory_space<hbm>>
      %dma_start3A_920 = arith.constant 0 : i32
      %dma_start3A_921 = tpu.memref_slice %arg6[%run_scoped3A_779, %dma_start3A_920] : memref<3x16384xf32, #tpu.memory_space<hbm>> -> memref<1x16384xf32, #tpu.memory_space<hbm>>
      %dma_start3A_922 = tpu.memref_squeeze %dma_start3A_921 : memref<1x16384xf32, #tpu.memory_space<hbm>> -> memref<16384xf32, #tpu.memory_space<hbm>>
      %dma_start3A_923 = tpu.memref_slice %dma_start3A_922[%mul3A_2] : memref<16384xf32, #tpu.memory_space<hbm>> -> memref<512xf32, #tpu.memory_space<hbm>>
      %dma_start3A_924 = arith.constant 0 : i32
      %dma_start3A_925 = tpu.memref_slice %arg9[%run_scoped3A_778, %dma_start3A_924] : memref<3x512xf32, #tpu.memory_space<vmem>> -> memref<1x512xf32, #tpu.memory_space<vmem>>
      %dma_start3A_926 = tpu.memref_squeeze %dma_start3A_925 : memref<1x512xf32, #tpu.memory_space<vmem>> -> memref<512xf32, #tpu.memory_space<vmem>>
      tpu.enqueue_dma source(%dma_start3A_926 : memref<512xf32, #tpu.memory_space<vmem>>) target(%dma_start3A_923 : memref<512xf32, #tpu.memory_space<hbm>>) target_semaphore(%run_scoped3A_912 : memref<!tpu.dma_semaphore, #tpu.memory_space<semaphore_mem>>)
      %dma_wait3A_927 = arith.constant 0 : i32
      %dma_wait3A_928 = tpu.memref_slice %arg9[%run_scoped3A_778, %dma_wait3A_927] : memref<3x512xf32, #tpu.memory_space<vmem>> -> memref<1x512xf32, #tpu.memory_space<vmem>>
      %dma_wait3A_929 = tpu.memref_squeeze %dma_wait3A_928 : memref<1x512xf32, #tpu.memory_space<vmem>> -> memref<512xf32, #tpu.memory_space<vmem>>
      %dma_wait3A_930 = arith.constant 0 : i32
      %dma_wait3A_931 = tpu.memref_slice %arg6[%run_scoped3A_779, %dma_wait3A_930] : memref<3x16384xf32, #tpu.memory_space<hbm>> -> memref<1x16384xf32, #tpu.memory_space<hbm>>
      %dma_wait3A_932 = tpu.memref_squeeze %dma_wait3A_931 : memref<1x16384xf32, #tpu.memory_space<hbm>> -> memref<16384xf32, #tpu.memory_space<hbm>>
      %dma_wait3A_933 = tpu.memref_slice %dma_wait3A_932[%mul3A_2] : memref<16384xf32, #tpu.memory_space<hbm>> -> memref<512xf32, #tpu.memory_space<hbm>>
      %dma_wait3A_934 = arith.constant 0 : i32
      %dma_wait3A_935 = tpu.memref_slice %arg6[%run_scoped3A_779, %dma_wait3A_934] : memref<3x16384xf32, #tpu.memory_space<hbm>> -> memref<1x16384xf32, #tpu.memory_space<hbm>>
      %dma_wait3A_936 = tpu.memref_squeeze %dma_wait3A_935 : memref<1x16384xf32, #tpu.memory_space<hbm>> -> memref<16384xf32, #tpu.memory_space<hbm>>
      %dma_wait3A_937 = tpu.memref_slice %dma_wait3A_936[%mul3A_2] : memref<16384xf32, #tpu.memory_space<hbm>> -> memref<512xf32, #tpu.memory_space<hbm>>
      %dma_wait3A_938 = arith.constant 0 : i32
      %dma_wait3A_939 = tpu.memref_slice %arg9[%run_scoped3A_778, %dma_wait3A_938] : memref<3x512xf32, #tpu.memory_space<vmem>> -> memref<1x512xf32, #tpu.memory_space<vmem>>
      %dma_wait3A_940 = tpu.memref_squeeze %dma_wait3A_939 : memref<1x512xf32, #tpu.memory_space<vmem>> -> memref<512xf32, #tpu.memory_space<vmem>>
      tpu.wait_dma2 semaphore(%run_scoped3A_912 : memref<!tpu.dma_semaphore, #tpu.memory_space<semaphore_mem>>) src(%dma_wait3A_940 : memref<512xf32, #tpu.memory_space<vmem>>) dst(%dma_wait3A_937 : memref<512xf32, #tpu.memory_space<hbm>>)
      tpu.yield
    }) : () -> ()
    %dma_wait3A_780 = arith.constant 1 : i32
    %dma_wait3A_781 = arith.constant 0 : i32
    %dma_wait3A_782 = arith.constant 1 : i32
    %dma_wait3A_783 = arith.constant 0 : i32
    %dma_wait3A_784 = tpu.memref_slice %arg9[%dma_wait3A_782, %dma_wait3A_783] : memref<3x512xf32, #tpu.memory_space<vmem>> -> memref<1x512xf32, #tpu.memory_space<vmem>>
    %dma_wait3A_785 = tpu.memref_squeeze %dma_wait3A_784 : memref<1x512xf32, #tpu.memory_space<vmem>> -> memref<512xf32, #tpu.memory_space<vmem>>
    %dma_wait3A_786 = arith.constant 0 : i32
    %dma_wait3A_787 = tpu.memref_slice %dma_wait3A_785[%dma_wait3A_786] : memref<512xf32, #tpu.memory_space<vmem>> -> memref<128xf32, #tpu.memory_space<vmem>>
    %dma_wait3A_788 = arith.constant 0 : i32
    %dma_wait3A_789 = tpu.memref_slice %arg7[%dma_wait3A_781, %dma_wait3A_788] : memref<4x128xi32, #tpu.memory_space<vmem>> -> memref<1x128xi32, #tpu.memory_space<vmem>>
    %dma_wait3A_790 = tpu.memref_squeeze %dma_wait3A_789 : memref<1x128xi32, #tpu.memory_space<vmem>> -> memref<128xi32, #tpu.memory_space<vmem>>
    %dma_wait3A_791 = arith.constant 0 : i32
    %dma_wait3A_792 = tpu.memref_slice %arg3[%dma_wait3A_780, %dma_wait3A_791] : memref<3x100000xf32, #tpu.memory_space<hbm>> -> memref<1x100000xf32, #tpu.memory_space<hbm>>
    %dma_wait3A_793 = tpu.memref_squeeze %dma_wait3A_792 : memref<1x100000xf32, #tpu.memory_space<hbm>> -> memref<100000xf32, #tpu.memory_space<hbm>>
    %dma_wait3A_794 = arith.constant 0 : i32
    %dma_wait3A_795 = tpu.memref_slice %dma_wait3A_793[%dma_wait3A_794] : memref<100000xf32, #tpu.memory_space<hbm>> -> memref<100000xf32, #tpu.memory_space<hbm>>
    tpu.wait_indirect_dma semaphore(%arg11 : memref<!tpu.dma_semaphore, #tpu.memory_space<semaphore_mem>>) src(%dma_wait3A_795 : memref<100000xf32, #tpu.memory_space<hbm>>) dst(%dma_wait3A_787 : memref<128xf32, #tpu.memory_space<vmem>>)
    %dma_wait3A_796 = arith.constant 1 : i32
    %dma_wait3A_797 = arith.constant 1 : i32
    %dma_wait3A_798 = arith.constant 1 : i32
    %dma_wait3A_799 = arith.constant 0 : i32
    %dma_wait3A_800 = tpu.memref_slice %arg9[%dma_wait3A_798, %dma_wait3A_799] : memref<3x512xf32, #tpu.memory_space<vmem>> -> memref<1x512xf32, #tpu.memory_space<vmem>>
    %dma_wait3A_801 = tpu.memref_squeeze %dma_wait3A_800 : memref<1x512xf32, #tpu.memory_space<vmem>> -> memref<512xf32, #tpu.memory_space<vmem>>
    %dma_wait3A_802 = arith.constant 128 : i32
    %dma_wait3A_803 = tpu.memref_slice %dma_wait3A_801[%dma_wait3A_802] : memref<512xf32, #tpu.memory_space<vmem>> -> memref<128xf32, #tpu.memory_space<vmem>>
    %dma_wait3A_804 = arith.constant 0 : i32
    %dma_wait3A_805 = tpu.memref_slice %arg7[%dma_wait3A_797, %dma_wait3A_804] : memref<4x128xi32, #tpu.memory_space<vmem>> -> memref<1x128xi32, #tpu.memory_space<vmem>>
    %dma_wait3A_806 = tpu.memref_squeeze %dma_wait3A_805 : memref<1x128xi32, #tpu.memory_space<vmem>> -> memref<128xi32, #tpu.memory_space<vmem>>
    %dma_wait3A_807 = arith.constant 0 : i32
    %dma_wait3A_808 = tpu.memref_slice %arg3[%dma_wait3A_796, %dma_wait3A_807] : memref<3x100000xf32, #tpu.memory_space<hbm>> -> memref<1x100000xf32, #tpu.memory_space<hbm>>
    %dma_wait3A_809 = tpu.memref_squeeze %dma_wait3A_808 : memref<1x100000xf32, #tpu.memory_space<hbm>> -> memref<100000xf32, #tpu.memory_space<hbm>>
    %dma_wait3A_810 = arith.constant 0 : i32
    %dma_wait3A_811 = tpu.memref_slice %dma_wait3A_809[%dma_wait3A_810] : memref<100000xf32, #tpu.memory_space<hbm>> -> memref<100000xf32, #tpu.memory_space<hbm>>
    tpu.wait_indirect_dma semaphore(%arg11 : memref<!tpu.dma_semaphore, #tpu.memory_space<semaphore_mem>>) src(%dma_wait3A_811 : memref<100000xf32, #tpu.memory_space<hbm>>) dst(%dma_wait3A_803 : memref<128xf32, #tpu.memory_space<vmem>>)
    %dma_wait3A_812 = arith.constant 1 : i32
    %dma_wait3A_813 = arith.constant 2 : i32
    %dma_wait3A_814 = arith.constant 1 : i32
    %dma_wait3A_815 = arith.constant 0 : i32
    %dma_wait3A_816 = tpu.memref_slice %arg9[%dma_wait3A_814, %dma_wait3A_815] : memref<3x512xf32, #tpu.memory_space<vmem>> -> memref<1x512xf32, #tpu.memory_space<vmem>>
    %dma_wait3A_817 = tpu.memref_squeeze %dma_wait3A_816 : memref<1x512xf32, #tpu.memory_space<vmem>> -> memref<512xf32, #tpu.memory_space<vmem>>
    %dma_wait3A_818 = arith.constant 256 : i32
    %dma_wait3A_819 = tpu.memref_slice %dma_wait3A_817[%dma_wait3A_818] : memref<512xf32, #tpu.memory_space<vmem>> -> memref<128xf32, #tpu.memory_space<vmem>>
    %dma_wait3A_820 = arith.constant 0 : i32
    %dma_wait3A_821 = tpu.memref_slice %arg7[%dma_wait3A_813, %dma_wait3A_820] : memref<4x128xi32, #tpu.memory_space<vmem>> -> memref<1x128xi32, #tpu.memory_space<vmem>>
    %dma_wait3A_822 = tpu.memref_squeeze %dma_wait3A_821 : memref<1x128xi32, #tpu.memory_space<vmem>> -> memref<128xi32, #tpu.memory_space<vmem>>
    %dma_wait3A_823 = arith.constant 0 : i32
    %dma_wait3A_824 = tpu.memref_slice %arg3[%dma_wait3A_812, %dma_wait3A_823] : memref<3x100000xf32, #tpu.memory_space<hbm>> -> memref<1x100000xf32, #tpu.memory_space<hbm>>
    %dma_wait3A_825 = tpu.memref_squeeze %dma_wait3A_824 : memref<1x100000xf32, #tpu.memory_space<hbm>> -> memref<100000xf32, #tpu.memory_space<hbm>>
    %dma_wait3A_826 = arith.constant 0 : i32
    %dma_wait3A_827 = tpu.memref_slice %dma_wait3A_825[%dma_wait3A_826] : memref<100000xf32, #tpu.memory_space<hbm>> -> memref<100000xf32, #tpu.memory_space<hbm>>
    tpu.wait_indirect_dma semaphore(%arg11 : memref<!tpu.dma_semaphore, #tpu.memory_space<semaphore_mem>>) src(%dma_wait3A_827 : memref<100000xf32, #tpu.memory_space<hbm>>) dst(%dma_wait3A_819 : memref<128xf32, #tpu.memory_space<vmem>>)
    %dma_wait3A_828 = arith.constant 1 : i32
    %dma_wait3A_829 = arith.constant 3 : i32
    %dma_wait3A_830 = arith.constant 1 : i32
    %dma_wait3A_831 = arith.constant 0 : i32
    %dma_wait3A_832 = tpu.memref_slice %arg9[%dma_wait3A_830, %dma_wait3A_831] : memref<3x512xf32, #tpu.memory_space<vmem>> -> memref<1x512xf32, #tpu.memory_space<vmem>>
    %dma_wait3A_833 = tpu.memref_squeeze %dma_wait3A_832 : memref<1x512xf32, #tpu.memory_space<vmem>> -> memref<512xf32, #tpu.memory_space<vmem>>
    %dma_wait3A_834 = arith.constant 384 : i32
    %dma_wait3A_835 = tpu.memref_slice %dma_wait3A_833[%dma_wait3A_834] : memref<512xf32, #tpu.memory_space<vmem>> -> memref<128xf32, #tpu.memory_space<vmem>>
    %dma_wait3A_836 = arith.constant 0 : i32
    %dma_wait3A_837 = tpu.memref_slice %arg7[%dma_wait3A_829, %dma_wait3A_836] : memref<4x128xi32, #tpu.memory_space<vmem>> -> memref<1x128xi32, #tpu.memory_space<vmem>>
    %dma_wait3A_838 = tpu.memref_squeeze %dma_wait3A_837 : memref<1x128xi32, #tpu.memory_space<vmem>> -> memref<128xi32, #tpu.memory_space<vmem>>
    %dma_wait3A_839 = arith.constant 0 : i32
    %dma_wait3A_840 = tpu.memref_slice %arg3[%dma_wait3A_828, %dma_wait3A_839] : memref<3x100000xf32, #tpu.memory_space<hbm>> -> memref<1x100000xf32, #tpu.memory_space<hbm>>
    %dma_wait3A_841 = tpu.memref_squeeze %dma_wait3A_840 : memref<1x100000xf32, #tpu.memory_space<hbm>> -> memref<100000xf32, #tpu.memory_space<hbm>>
    %dma_wait3A_842 = arith.constant 0 : i32
    %dma_wait3A_843 = tpu.memref_slice %dma_wait3A_841[%dma_wait3A_842] : memref<100000xf32, #tpu.memory_space<hbm>> -> memref<100000xf32, #tpu.memory_space<hbm>>
    tpu.wait_indirect_dma semaphore(%arg11 : memref<!tpu.dma_semaphore, #tpu.memory_space<semaphore_mem>>) src(%dma_wait3A_843 : memref<100000xf32, #tpu.memory_space<hbm>>) dst(%dma_wait3A_835 : memref<128xf32, #tpu.memory_space<vmem>>)
    %run_scoped3A_844 = arith.constant 1 : i32
    %run_scoped3A_845 = arith.constant 1 : i32
    "tpu.region"() ({
      %run_scoped3A_912 = tpu.sem_alloc : memref<!tpu.dma_semaphore, #tpu.memory_space<semaphore_mem>>
      %dma_start3A_913 = arith.constant 0 : i32
      %dma_start3A_914 = tpu.memref_slice %arg9[%run_scoped3A_844, %dma_start3A_913] : memref<3x512xf32, #tpu.memory_space<vmem>> -> memref<1x512xf32, #tpu.memory_space<vmem>>
      %dma_start3A_915 = tpu.memref_squeeze %dma_start3A_914 : memref<1x512xf32, #tpu.memory_space<vmem>> -> memref<512xf32, #tpu.memory_space<vmem>>
      %dma_start3A_916 = arith.constant 0 : i32
      %dma_start3A_917 = tpu.memref_slice %arg6[%run_scoped3A_845, %dma_start3A_916] : memref<3x16384xf32, #tpu.memory_space<hbm>> -> memref<1x16384xf32, #tpu.memory_space<hbm>>
      %dma_start3A_918 = tpu.memref_squeeze %dma_start3A_917 : memref<1x16384xf32, #tpu.memory_space<hbm>> -> memref<16384xf32, #tpu.memory_space<hbm>>
      %dma_start3A_919 = tpu.memref_slice %dma_start3A_918[%mul3A_2] : memref<16384xf32, #tpu.memory_space<hbm>> -> memref<512xf32, #tpu.memory_space<hbm>>
      %dma_start3A_920 = arith.constant 0 : i32
      %dma_start3A_921 = tpu.memref_slice %arg6[%run_scoped3A_845, %dma_start3A_920] : memref<3x16384xf32, #tpu.memory_space<hbm>> -> memref<1x16384xf32, #tpu.memory_space<hbm>>
      %dma_start3A_922 = tpu.memref_squeeze %dma_start3A_921 : memref<1x16384xf32, #tpu.memory_space<hbm>> -> memref<16384xf32, #tpu.memory_space<hbm>>
      %dma_start3A_923 = tpu.memref_slice %dma_start3A_922[%mul3A_2] : memref<16384xf32, #tpu.memory_space<hbm>> -> memref<512xf32, #tpu.memory_space<hbm>>
      %dma_start3A_924 = arith.constant 0 : i32
      %dma_start3A_925 = tpu.memref_slice %arg9[%run_scoped3A_844, %dma_start3A_924] : memref<3x512xf32, #tpu.memory_space<vmem>> -> memref<1x512xf32, #tpu.memory_space<vmem>>
      %dma_start3A_926 = tpu.memref_squeeze %dma_start3A_925 : memref<1x512xf32, #tpu.memory_space<vmem>> -> memref<512xf32, #tpu.memory_space<vmem>>
      tpu.enqueue_dma source(%dma_start3A_926 : memref<512xf32, #tpu.memory_space<vmem>>) target(%dma_start3A_923 : memref<512xf32, #tpu.memory_space<hbm>>) target_semaphore(%run_scoped3A_912 : memref<!tpu.dma_semaphore, #tpu.memory_space<semaphore_mem>>)
      %dma_wait3A_927 = arith.constant 0 : i32
      %dma_wait3A_928 = tpu.memref_slice %arg9[%run_scoped3A_844, %dma_wait3A_927] : memref<3x512xf32, #tpu.memory_space<vmem>> -> memref<1x512xf32, #tpu.memory_space<vmem>>
      %dma_wait3A_929 = tpu.memref_squeeze %dma_wait3A_928 : memref<1x512xf32, #tpu.memory_space<vmem>> -> memref<512xf32, #tpu.memory_space<vmem>>
      %dma_wait3A_930 = arith.constant 0 : i32
      %dma_wait3A_931 = tpu.memref_slice %arg6[%run_scoped3A_845, %dma_wait3A_930] : memref<3x16384xf32, #tpu.memory_space<hbm>> -> memref<1x16384xf32, #tpu.memory_space<hbm>>
      %dma_wait3A_932 = tpu.memref_squeeze %dma_wait3A_931 : memref<1x16384xf32, #tpu.memory_space<hbm>> -> memref<16384xf32, #tpu.memory_space<hbm>>
      %dma_wait3A_933 = tpu.memref_slice %dma_wait3A_932[%mul3A_2] : memref<16384xf32, #tpu.memory_space<hbm>> -> memref<512xf32, #tpu.memory_space<hbm>>
      %dma_wait3A_934 = arith.constant 0 : i32
      %dma_wait3A_935 = tpu.memref_slice %arg6[%run_scoped3A_845, %dma_wait3A_934] : memref<3x16384xf32, #tpu.memory_space<hbm>> -> memref<1x16384xf32, #tpu.memory_space<hbm>>
      %dma_wait3A_936 = tpu.memref_squeeze %dma_wait3A_935 : memref<1x16384xf32, #tpu.memory_space<hbm>> -> memref<16384xf32, #tpu.memory_space<hbm>>
      %dma_wait3A_937 = tpu.memref_slice %dma_wait3A_936[%mul3A_2] : memref<16384xf32, #tpu.memory_space<hbm>> -> memref<512xf32, #tpu.memory_space<hbm>>
      %dma_wait3A_938 = arith.constant 0 : i32
      %dma_wait3A_939 = tpu.memref_slice %arg9[%run_scoped3A_844, %dma_wait3A_938] : memref<3x512xf32, #tpu.memory_space<vmem>> -> memref<1x512xf32, #tpu.memory_space<vmem>>
      %dma_wait3A_940 = tpu.memref_squeeze %dma_wait3A_939 : memref<1x512xf32, #tpu.memory_space<vmem>> -> memref<512xf32, #tpu.memory_space<vmem>>
      tpu.wait_dma2 semaphore(%run_scoped3A_912 : memref<!tpu.dma_semaphore, #tpu.memory_space<semaphore_mem>>) src(%dma_wait3A_940 : memref<512xf32, #tpu.memory_space<vmem>>) dst(%dma_wait3A_937 : memref<512xf32, #tpu.memory_space<hbm>>)
      tpu.yield
    }) : () -> ()
    %dma_wait3A_846 = arith.constant 2 : i32
    %dma_wait3A_847 = arith.constant 0 : i32
    %dma_wait3A_848 = arith.constant 2 : i32
    %dma_wait3A_849 = arith.constant 0 : i32
    %dma_wait3A_850 = tpu.memref_slice %arg9[%dma_wait3A_848, %dma_wait3A_849] : memref<3x512xf32, #tpu.memory_space<vmem>> -> memref<1x512xf32, #tpu.memory_space<vmem>>
    %dma_wait3A_851 = tpu.memref_squeeze %dma_wait3A_850 : memref<1x512xf32, #tpu.memory_space<vmem>> -> memref<512xf32, #tpu.memory_space<vmem>>
    %dma_wait3A_852 = arith.constant 0 : i32
    %dma_wait3A_853 = tpu.memref_slice %dma_wait3A_851[%dma_wait3A_852] : memref<512xf32, #tpu.memory_space<vmem>> -> memref<128xf32, #tpu.memory_space<vmem>>
    %dma_wait3A_854 = arith.constant 0 : i32
    %dma_wait3A_855 = tpu.memref_slice %arg7[%dma_wait3A_847, %dma_wait3A_854] : memref<4x128xi32, #tpu.memory_space<vmem>> -> memref<1x128xi32, #tpu.memory_space<vmem>>
    %dma_wait3A_856 = tpu.memref_squeeze %dma_wait3A_855 : memref<1x128xi32, #tpu.memory_space<vmem>> -> memref<128xi32, #tpu.memory_space<vmem>>
    %dma_wait3A_857 = arith.constant 0 : i32
    %dma_wait3A_858 = tpu.memref_slice %arg3[%dma_wait3A_846, %dma_wait3A_857] : memref<3x100000xf32, #tpu.memory_space<hbm>> -> memref<1x100000xf32, #tpu.memory_space<hbm>>
    %dma_wait3A_859 = tpu.memref_squeeze %dma_wait3A_858 : memref<1x100000xf32, #tpu.memory_space<hbm>> -> memref<100000xf32, #tpu.memory_space<hbm>>
    %dma_wait3A_860 = arith.constant 0 : i32
    %dma_wait3A_861 = tpu.memref_slice %dma_wait3A_859[%dma_wait3A_860] : memref<100000xf32, #tpu.memory_space<hbm>> -> memref<100000xf32, #tpu.memory_space<hbm>>
    tpu.wait_indirect_dma semaphore(%arg11 : memref<!tpu.dma_semaphore, #tpu.memory_space<semaphore_mem>>) src(%dma_wait3A_861 : memref<100000xf32, #tpu.memory_space<hbm>>) dst(%dma_wait3A_853 : memref<128xf32, #tpu.memory_space<vmem>>)
    %dma_wait3A_862 = arith.constant 2 : i32
    %dma_wait3A_863 = arith.constant 1 : i32
    %dma_wait3A_864 = arith.constant 2 : i32
    %dma_wait3A_865 = arith.constant 0 : i32
    %dma_wait3A_866 = tpu.memref_slice %arg9[%dma_wait3A_864, %dma_wait3A_865] : memref<3x512xf32, #tpu.memory_space<vmem>> -> memref<1x512xf32, #tpu.memory_space<vmem>>
    %dma_wait3A_867 = tpu.memref_squeeze %dma_wait3A_866 : memref<1x512xf32, #tpu.memory_space<vmem>> -> memref<512xf32, #tpu.memory_space<vmem>>
    %dma_wait3A_868 = arith.constant 128 : i32
    %dma_wait3A_869 = tpu.memref_slice %dma_wait3A_867[%dma_wait3A_868] : memref<512xf32, #tpu.memory_space<vmem>> -> memref<128xf32, #tpu.memory_space<vmem>>
    %dma_wait3A_870 = arith.constant 0 : i32
    %dma_wait3A_871 = tpu.memref_slice %arg7[%dma_wait3A_863, %dma_wait3A_870] : memref<4x128xi32, #tpu.memory_space<vmem>> -> memref<1x128xi32, #tpu.memory_space<vmem>>
    %dma_wait3A_872 = tpu.memref_squeeze %dma_wait3A_871 : memref<1x128xi32, #tpu.memory_space<vmem>> -> memref<128xi32, #tpu.memory_space<vmem>>
    %dma_wait3A_873 = arith.constant 0 : i32
    %dma_wait3A_874 = tpu.memref_slice %arg3[%dma_wait3A_862, %dma_wait3A_873] : memref<3x100000xf32, #tpu.memory_space<hbm>> -> memref<1x100000xf32, #tpu.memory_space<hbm>>
    %dma_wait3A_875 = tpu.memref_squeeze %dma_wait3A_874 : memref<1x100000xf32, #tpu.memory_space<hbm>> -> memref<100000xf32, #tpu.memory_space<hbm>>
    %dma_wait3A_876 = arith.constant 0 : i32
    %dma_wait3A_877 = tpu.memref_slice %dma_wait3A_875[%dma_wait3A_876] : memref<100000xf32, #tpu.memory_space<hbm>> -> memref<100000xf32, #tpu.memory_space<hbm>>
    tpu.wait_indirect_dma semaphore(%arg11 : memref<!tpu.dma_semaphore, #tpu.memory_space<semaphore_mem>>) src(%dma_wait3A_877 : memref<100000xf32, #tpu.memory_space<hbm>>) dst(%dma_wait3A_869 : memref<128xf32, #tpu.memory_space<vmem>>)
    %dma_wait3A_878 = arith.constant 2 : i32
    %dma_wait3A_879 = arith.constant 2 : i32
    %dma_wait3A_880 = arith.constant 2 : i32
    %dma_wait3A_881 = arith.constant 0 : i32
    %dma_wait3A_882 = tpu.memref_slice %arg9[%dma_wait3A_880, %dma_wait3A_881] : memref<3x512xf32, #tpu.memory_space<vmem>> -> memref<1x512xf32, #tpu.memory_space<vmem>>
    %dma_wait3A_883 = tpu.memref_squeeze %dma_wait3A_882 : memref<1x512xf32, #tpu.memory_space<vmem>> -> memref<512xf32, #tpu.memory_space<vmem>>
    %dma_wait3A_884 = arith.constant 256 : i32
    %dma_wait3A_885 = tpu.memref_slice %dma_wait3A_883[%dma_wait3A_884] : memref<512xf32, #tpu.memory_space<vmem>> -> memref<128xf32, #tpu.memory_space<vmem>>
    %dma_wait3A_886 = arith.constant 0 : i32
    %dma_wait3A_887 = tpu.memref_slice %arg7[%dma_wait3A_879, %dma_wait3A_886] : memref<4x128xi32, #tpu.memory_space<vmem>> -> memref<1x128xi32, #tpu.memory_space<vmem>>
    %dma_wait3A_888 = tpu.memref_squeeze %dma_wait3A_887 : memref<1x128xi32, #tpu.memory_space<vmem>> -> memref<128xi32, #tpu.memory_space<vmem>>
    %dma_wait3A_889 = arith.constant 0 : i32
    %dma_wait3A_890 = tpu.memref_slice %arg3[%dma_wait3A_878, %dma_wait3A_889] : memref<3x100000xf32, #tpu.memory_space<hbm>> -> memref<1x100000xf32, #tpu.memory_space<hbm>>
    %dma_wait3A_891 = tpu.memref_squeeze %dma_wait3A_890 : memref<1x100000xf32, #tpu.memory_space<hbm>> -> memref<100000xf32, #tpu.memory_space<hbm>>
    %dma_wait3A_892 = arith.constant 0 : i32
    %dma_wait3A_893 = tpu.memref_slice %dma_wait3A_891[%dma_wait3A_892] : memref<100000xf32, #tpu.memory_space<hbm>> -> memref<100000xf32, #tpu.memory_space<hbm>>
    tpu.wait_indirect_dma semaphore(%arg11 : memref<!tpu.dma_semaphore, #tpu.memory_space<semaphore_mem>>) src(%dma_wait3A_893 : memref<100000xf32, #tpu.memory_space<hbm>>) dst(%dma_wait3A_885 : memref<128xf32, #tpu.memory_space<vmem>>)
    %dma_wait3A_894 = arith.constant 2 : i32
    %dma_wait3A_895 = arith.constant 3 : i32
    %dma_wait3A_896 = arith.constant 2 : i32
    %dma_wait3A_897 = arith.constant 0 : i32
    %dma_wait3A_898 = tpu.memref_slice %arg9[%dma_wait3A_896, %dma_wait3A_897] : memref<3x512xf32, #tpu.memory_space<vmem>> -> memref<1x512xf32, #tpu.memory_space<vmem>>
    %dma_wait3A_899 = tpu.memref_squeeze %dma_wait3A_898 : memref<1x512xf32, #tpu.memory_space<vmem>> -> memref<512xf32, #tpu.memory_space<vmem>>
    %dma_wait3A_900 = arith.constant 384 : i32
    %dma_wait3A_901 = tpu.memref_slice %dma_wait3A_899[%dma_wait3A_900] : memref<512xf32, #tpu.memory_space<vmem>> -> memref<128xf32, #tpu.memory_space<vmem>>
    %dma_wait3A_902 = arith.constant 0 : i32
    %dma_wait3A_903 = tpu.memref_slice %arg7[%dma_wait3A_895, %dma_wait3A_902] : memref<4x128xi32, #tpu.memory_space<vmem>> -> memref<1x128xi32, #tpu.memory_space<vmem>>
    %dma_wait3A_904 = tpu.memref_squeeze %dma_wait3A_903 : memref<1x128xi32, #tpu.memory_space<vmem>> -> memref<128xi32, #tpu.memory_space<vmem>>
    %dma_wait3A_905 = arith.constant 0 : i32
    %dma_wait3A_906 = tpu.memref_slice %arg3[%dma_wait3A_894, %dma_wait3A_905] : memref<3x100000xf32, #tpu.memory_space<hbm>> -> memref<1x100000xf32, #tpu.memory_space<hbm>>
    %dma_wait3A_907 = tpu.memref_squeeze %dma_wait3A_906 : memref<1x100000xf32, #tpu.memory_space<hbm>> -> memref<100000xf32, #tpu.memory_space<hbm>>
    %dma_wait3A_908 = arith.constant 0 : i32
    %dma_wait3A_909 = tpu.memref_slice %dma_wait3A_907[%dma_wait3A_908] : memref<100000xf32, #tpu.memory_space<hbm>> -> memref<100000xf32, #tpu.memory_space<hbm>>
    tpu.wait_indirect_dma semaphore(%arg11 : memref<!tpu.dma_semaphore, #tpu.memory_space<semaphore_mem>>) src(%dma_wait3A_909 : memref<100000xf32, #tpu.memory_space<hbm>>) dst(%dma_wait3A_901 : memref<128xf32, #tpu.memory_space<vmem>>)
    %run_scoped3A_910 = arith.constant 2 : i32
    %run_scoped3A_911 = arith.constant 2 : i32
    "tpu.region"() ({
      %run_scoped3A_912 = tpu.sem_alloc : memref<!tpu.dma_semaphore, #tpu.memory_space<semaphore_mem>>
      %dma_start3A_913 = arith.constant 0 : i32
      %dma_start3A_914 = tpu.memref_slice %arg9[%run_scoped3A_910, %dma_start3A_913] : memref<3x512xf32, #tpu.memory_space<vmem>> -> memref<1x512xf32, #tpu.memory_space<vmem>>
      %dma_start3A_915 = tpu.memref_squeeze %dma_start3A_914 : memref<1x512xf32, #tpu.memory_space<vmem>> -> memref<512xf32, #tpu.memory_space<vmem>>
      %dma_start3A_916 = arith.constant 0 : i32
      %dma_start3A_917 = tpu.memref_slice %arg6[%run_scoped3A_911, %dma_start3A_916] : memref<3x16384xf32, #tpu.memory_space<hbm>> -> memref<1x16384xf32, #tpu.memory_space<hbm>>
      %dma_start3A_918 = tpu.memref_squeeze %dma_start3A_917 : memref<1x16384xf32, #tpu.memory_space<hbm>> -> memref<16384xf32, #tpu.memory_space<hbm>>
      %dma_start3A_919 = tpu.memref_slice %dma_start3A_918[%mul3A_2] : memref<16384xf32, #tpu.memory_space<hbm>> -> memref<512xf32, #tpu.memory_space<hbm>>
      %dma_start3A_920 = arith.constant 0 : i32
      %dma_start3A_921 = tpu.memref_slice %arg6[%run_scoped3A_911, %dma_start3A_920] : memref<3x16384xf32, #tpu.memory_space<hbm>> -> memref<1x16384xf32, #tpu.memory_space<hbm>>
      %dma_start3A_922 = tpu.memref_squeeze %dma_start3A_921 : memref<1x16384xf32, #tpu.memory_space<hbm>> -> memref<16384xf32, #tpu.memory_space<hbm>>
      %dma_start3A_923 = tpu.memref_slice %dma_start3A_922[%mul3A_2] : memref<16384xf32, #tpu.memory_space<hbm>> -> memref<512xf32, #tpu.memory_space<hbm>>
      %dma_start3A_924 = arith.constant 0 : i32
      %dma_start3A_925 = tpu.memref_slice %arg9[%run_scoped3A_910, %dma_start3A_924] : memref<3x512xf32, #tpu.memory_space<vmem>> -> memref<1x512xf32, #tpu.memory_space<vmem>>
      %dma_start3A_926 = tpu.memref_squeeze %dma_start3A_925 : memref<1x512xf32, #tpu.memory_space<vmem>> -> memref<512xf32, #tpu.memory_space<vmem>>
      tpu.enqueue_dma source(%dma_start3A_926 : memref<512xf32, #tpu.memory_space<vmem>>) target(%dma_start3A_923 : memref<512xf32, #tpu.memory_space<hbm>>) target_semaphore(%run_scoped3A_912 : memref<!tpu.dma_semaphore, #tpu.memory_space<semaphore_mem>>)
      %dma_wait3A_927 = arith.constant 0 : i32
      %dma_wait3A_928 = tpu.memref_slice %arg9[%run_scoped3A_910, %dma_wait3A_927] : memref<3x512xf32, #tpu.memory_space<vmem>> -> memref<1x512xf32, #tpu.memory_space<vmem>>
      %dma_wait3A_929 = tpu.memref_squeeze %dma_wait3A_928 : memref<1x512xf32, #tpu.memory_space<vmem>> -> memref<512xf32, #tpu.memory_space<vmem>>
      %dma_wait3A_930 = arith.constant 0 : i32
      %dma_wait3A_931 = tpu.memref_slice %arg6[%run_scoped3A_911, %dma_wait3A_930] : memref<3x16384xf32, #tpu.memory_space<hbm>> -> memref<1x16384xf32, #tpu.memory_space<hbm>>
      %dma_wait3A_932 = tpu.memref_squeeze %dma_wait3A_931 : memref<1x16384xf32, #tpu.memory_space<hbm>> -> memref<16384xf32, #tpu.memory_space<hbm>>
      %dma_wait3A_933 = tpu.memref_slice %dma_wait3A_932[%mul3A_2] : memref<16384xf32, #tpu.memory_space<hbm>> -> memref<512xf32, #tpu.memory_space<hbm>>
      %dma_wait3A_934 = arith.constant 0 : i32
      %dma_wait3A_935 = tpu.memref_slice %arg6[%run_scoped3A_911, %dma_wait3A_934] : memref<3x16384xf32, #tpu.memory_space<hbm>> -> memref<1x16384xf32, #tpu.memory_space<hbm>>
      %dma_wait3A_936 = tpu.memref_squeeze %dma_wait3A_935 : memref<1x16384xf32, #tpu.memory_space<hbm>> -> memref<16384xf32, #tpu.memory_space<hbm>>
      %dma_wait3A_937 = tpu.memref_slice %dma_wait3A_936[%mul3A_2] : memref<16384xf32, #tpu.memory_space<hbm>> -> memref<512xf32, #tpu.memory_space<hbm>>
      %dma_wait3A_938 = arith.constant 0 : i32
      %dma_wait3A_939 = tpu.memref_slice %arg9[%run_scoped3A_910, %dma_wait3A_938] : memref<3x512xf32, #tpu.memory_space<vmem>> -> memref<1x512xf32, #tpu.memory_space<vmem>>
      %dma_wait3A_940 = tpu.memref_squeeze %dma_wait3A_939 : memref<1x512xf32, #tpu.memory_space<vmem>> -> memref<512xf32, #tpu.memory_space<vmem>>
      tpu.wait_dma2 semaphore(%run_scoped3A_912 : memref<!tpu.dma_semaphore, #tpu.memory_space<semaphore_mem>>) src(%dma_wait3A_940 : memref<512xf32, #tpu.memory_space<vmem>>) dst(%dma_wait3A_937 : memref<512xf32, #tpu.memory_space<hbm>>)
      tpu.yield
    }) : () -> ()
    return
  }
}

</mosaic_0001>

<sc_bundles>
// kernel: kernel.3.cloned.1.call-start
scs
__scs_entry_jumppad:
0x0: {  	(pc) =	sbr.rel $0x88, $3  }
0x1: {  	(tag) =	ssettag $0x0;
	lr =	simm.s32 $0x1  }
0x2: {  	[smem:$0x3F9E] =	sst lr;
	_ =	strace $0xD0000000  }
0x3: {  	_ = 	snop  }
0x4: {  	_ = 	snop  }
0x5: {  	_ = 	snop  }
0x6: {  	_ = 	snop  }
0x7: {  	_ = 	snop  }
__scs_overlays_trampoline_lowered:
0x8: {  	[smem:$0x3FAD] =	sst s0  }
0x9: {  	[smem:$0x3FAE] =	sst s1  }
0xa: {  	[smem:$0x3FAF] =	sst s2  }
0xb: {  	[smem:$0x3FB0] =	sst s3  }
0xc: {  	[smem:$0x3FB1] =	sst s4  }
0xd: {  	[smem:$0x3FB2] =	sst s5  }
0xe: {  	[smem:$0x3FB3] =	sst s6  }
0xf: {  	[smem:$0x3FB4] =	sst s7  }
0x10: {  	[smem:$0x3FB5] =	sst s8  }
0x11: {  	[smem:$0x3FB6] =	sst s9;
	s0 =	simm.s32 @!p0 $0x0  }
0x12: {  	s1 =	sld [smem:$0x3F9C];
	s0 =	simm.s32 @p0 $0x1  }
0x13: {  	[smem:$0x3FB7] =	sst s0;
	s0 =	simm.s32 @!p1 $0x0  }
0x14: {  	s2 =	sld [smem:$0x3F9B];
	s0 =	simm.s32 @p1 $0x1  }
0x15: {  	[smem:$0x3FB8] =	sst s0;
	s0 =	simm.s32 @!p2 $0x0  }
0x16: {  	s3 =	sld [smem:$0x3FDB];
	s0 =	simm.s32 @p2 $0x1  }
0x17: {  	s4 =	simm.s32 $0x1BF5;
	[smem:$0x3FBA] =	sst s0  }
0x18: {  	s0 =	sld [smem:$0x3F9D];
	_ =	swait.ge [sflag:s4], $0x0  }
0x19: {  	s7 =	sld [smem:$0x3F9E]  }
0x1a: {  	s8 =	sadd.s32 $0xFFFFE003, lr  }
0x1b: {  	s9 =	sadd.s32 $0xFFFFFEF7, lr;
	s5 =	simm.s32 $0xFFFFFFFF;
	p2 =	slt.u32 s8, $0xFFFFF086  }
0x1c: {  	p1 =	slt.u32 s9, $0xF7A;
	s5 =	simm.s32 @!p2 $0x0  }
0x1d: {  	s5 =	simm.s32 @p1 $0x1;
	p0 =	seq.s32 s7, s2  }
0x1e: {  	s7 =	smul.u32 @!p0 $0xF7A, s2;
	p2 =	seq.s32 @!p0 s5, $0x0  }
0x1f: {  	s9 =	smul.u32 $0xF7A, s1;
	s8 =	simm.s32 @!p0 $0x1BF5;
	p2 =	por !p2, p0  }
0x20: {  	[sflag:s8] =	ssyncset.s32 @!p0 $0xFFFFF086;
	s6 =	sadd.s32 @!p0 s3, s7;
	s7 =	simm.s32 @!p0 $0x108  }
0x21: {  	s3 =	sadd.s32 s3, s9;
	s6 =	sadd.s32 @!p0 $0x88, s6;
	s7 =	simm.s32 @p2 $0x1082  }
0x22: {  	[simem:s7], [sflag:s8] =	dma.local @!p0 [hbm:s6], $0xF7A  }
0x23: {  	s9 =	sor.u32 $0xD0000000, s2;
	s6 =	simm.s32 $0x108;
	_ =	swait.ge @!p0 [sflag:s8], $0x0  }
0x24: {  	s3 =	sadd.s32 $0x88, s3;
	s6 =	simm.s32 @!p1 $0x1082;
	[sflag:s4] =	ssyncset.s32 $0xFFFFF086  }
0x25: {  	[simem:s6], [sflag:s4] =	dma.local [hbm:s3], $0xF7A  }
0x26: {  	[smem:$0x3F9E] =	sst s1;
	(tag) =	ssettag s2;
	_ =	strace s9  }
0x27: {  	s1 =	sld [smem:$0x3FAE]  }
0x28: {  	s2 =	sld [smem:$0x3FAF]  }
0x29: {  	s4 =	sld [smem:$0x3FB1]  }
0x2a: {  	p0 =	seq.s32 s5, $0x0;
	s5 =	sld [smem:$0x3FB2]  }
0x2b: {  	s6 =	sld [smem:$0x3FB3]  }
0x2c: {  	s7 =	sld [smem:$0x3FB4]  }
0x2d: {  	s3 =	simm.s32 $0x108;
	s8 =	sld [smem:$0x3FB5]  }
0x2e: {  	s3 =	simm.s32 @!p0 $0x1082;
	s9 =	sld [smem:$0x3FB6]  }
0x2f: {  	lr =	sadd.s32 s0, s3;
	s0 =	sld [smem:$0x3FAD]  }
0x30: {  	s3 =	sld [smem:$0x3FB0]  }
0x31: {  	[smem:$0x3FB9] =	sst s10  }
0x32: {  	s10 =	sld [smem:$0x3FB7];
	_ =	sdelay $0x3  }
0x33: {  	p0 =	seq.s32 s10, $0x1;
	s10 =	sld [smem:$0x3FB9];
	_ =	sdelay $0x3  }
0x34: {  	[smem:$0x3FB9] =	sst s10  }
0x35: {  	s10 =	sld [smem:$0x3FB8];
	_ =	sdelay $0x3  }
0x36: {  	p1 =	seq.s32 s10, $0x1;
	s10 =	sld [smem:$0x3FB9];
	_ =	sdelay $0x3  }
0x37: {  	[smem:$0x3FB9] =	sst s10  }
0x38: {  	s10 =	sld [smem:$0x3FBA]  }
0x39: {  	_ = 	snop;
	(pc) =	sbr.ind lr, $3  }
0x3a: {  	_ = 	snop  }
0x3b: {  	_ = 	snop  }
0x3c: {  	p2 =	seq.s32 s10, $0x1;
	s10 =	sld [smem:$0x3FB9]  }
0x3d: {  	_ =	shalt  }
0x3e: {  	_ =	shalt  }
0x3f: {  	_ =	shalt  }
0x40: {  	_ =	shalt  }
0x41: {  	_ =	shalt  }
0x42: {  	_ =	shalt  }
0x43: {  	_ =	shalt  }
0x44: {  	_ =	shalt  }
0x45: {  	_ =	shalt  }
0x46: {  	_ =	shalt  }
0x47: {  	_ =	shalt  }
0x48: {  	_ =	shalt  }
0x49: {  	_ =	shalt  }
0x4a: {  	_ =	shalt  }
0x4b: {  	_ =	shalt  }
0x4c: {  	_ =	shalt  }
0x4d: {  	_ =	shalt  }
0x4e: {  	_ =	shalt  }
0x4f: {  	_ =	shalt  }
0x50: {  	_ =	shalt  }
0x51: {  	_ =	shalt  }
0x52: {  	_ =	shalt  }
0x53: {  	_ =	shalt  }
0x54: {  	_ =	shalt  }
0x55: {  	_ =	shalt  }
0x56: {  	_ =	shalt  }
0x57: {  	_ =	shalt  }
0x58: {  	_ =	shalt  }
0x59: {  	_ =	shalt  }
0x5a: {  	_ =	shalt  }
0x5b: {  	_ =	shalt  }
0x5c: {  	_ =	shalt  }
0x5d: {  	_ =	shalt  }
0x5e: {  	_ =	shalt  }
0x5f: {  	_ =	shalt  }
0x60: {  	_ =	shalt  }
0x61: {  	_ =	shalt  }
0x62: {  	_ =	shalt  }
0x63: {  	_ =	shalt  }
0x64: {  	_ =	shalt  }
0x65: {  	_ =	shalt  }
0x66: {  	_ =	shalt  }
0x67: {  	_ =	shalt  }
0x68: {  	_ =	shalt  }
0x69: {  	_ =	shalt  }
0x6a: {  	_ =	shalt  }
0x6b: {  	_ =	shalt  }
0x6c: {  	_ =	shalt  }
0x6d: {  	_ =	shalt  }
0x6e: {  	_ =	shalt  }
0x6f: {  	_ =	shalt  }
0x70: {  	_ =	shalt  }
0x71: {  	_ =	shalt  }
0x72: {  	_ =	shalt  }
0x73: {  	_ =	shalt  }
0x74: {  	_ =	shalt  }
0x75: {  	_ =	shalt  }
0x76: {  	_ =	shalt  }
0x77: {  	_ =	shalt  }
0x78: {  	_ =	shalt  }
0x79: {  	_ =	shalt  }
0x7a: {  	_ =	shalt  }
0x7b: {  	_ =	shalt  }
0x7c: {  	_ =	shalt  }
0x7d: {  	_ =	shalt  }
0x7e: {  	_ =	shalt  }
0x7f: {  	_ =	shalt  }
0x80: {  	_ =	shalt  }
0x81: {  	_ =	shalt  }
0x82: {  	_ =	shalt  }
0x83: {  	_ =	shalt  }
0x84: {  	_ =	shalt  }
0x85: {  	_ =	shalt  }
0x86: {  	_ =	shalt  }
0x87: {  	_ =	shalt  }
.Lfunc_end0:
.L_simem_size_0:
called_computation_lowered:
.L_overlay_start_0:
0x88: {  	s2 =	sld [smem:$0x3FD9]  }
0x89: {  	s3 =	sld [smem:$0x3FFE];
	_ =	sdelay $0x1  }
0x8a: {  	s1 =	srdreg.scid  }
0x8b: {  	s0 =	sand.u32 $0x1, s1  }
0x8c: {  	s14 =	sshll.u32 s0, $0xA;
	s2 =	sadd.s32 s3, s2  }
0x8d: {  	s2 =	sadd.s32 s2, s14  }
0x8e: {  	[smem:$0x3FC5] =	sst s2  }
0x8f: {  	_ = 	snop  }
0x90: {  	s2 =	sld [smem:$0x3FD0];
	_ =	sdelay $0x2  }
0x91: {  	s4 =	simm.s32 $0xA;
	s5 =	simm.s32 $0x10;
	s15 =	sld [smem:$0x3FC7]  }
0x92: {  	[smem:s5], [sflag:s4] =	dma.local [hbm:s2], $0x1  }
0x93: {  	_ =	swait.eq [sflag:s4], $0x1  }
0x94: {  	[sflag:s4] =	ssyncset.done $0x0  }
0x95: {  	[sflag:s4] =	ssyncadd.s32 $0xFFFFFFFF  }
0x96: {  	s16 =	sld [smem:$0x11];
	(tm) =	ssettm $0x1  }
0x97: {  	s17 =	sld [smem:$0x3FFB];
	_ =	sdelay $0x3  }
0x98: {  	_ =	strace s17  }
0x99: {  	s4 =	sld [smem:$0x3FFC];
	_ =	sdelay $0x3  }
0x9a: {  	_ =	strace s4  }
0x9b: {  	s4 =	sld [smem:$0x3FFD];
	_ =	sdelay $0x3  }
0x9c: {  	_ =	strace s4  }
0x9d: {  	_ =	strace $0x8FFFFFFF  }
0x9e: {  	s18 =	sld [smem:$0x3FDB];
	_ =	sdelay $0x1  }
0x9f: {  	s19 =	simm.s32 $_scs_section_size  }
0xa0: {  	s6 =	simm.s32 $_size__tile_overlayer_lowered;
	s7 =	simm.s32 $_tile_overlayer_lowered  }
0xa1: {  	s22 =	simm.s32 $0x1BFF;
	s21 =	sshll.u32 s7, $0x1;
	s4 =	sadd.s32 s19, s18  }
0xa2: {  	s8 =	simm.s32 $0x0;
	s20 =	sshll.u32 s6, $0x1;
	s6 =	sadd.s32 s21, s4  }
0xa3: {  	[timem:s8], [sflag:s22] =	dma.local [hbm:s6], s20  }
0xa4: {  	_ =	swait.ge [sflag:s22], s20  }
0xa5: {  	s5 =	ssub.s32 $0x0, s20;
	[sflag:s22] =	ssyncset.done $0x0  }
0xa6: {  	[sflag:s22] =	ssyncadd.s32 s5;
	_ =	sdelay $0x1  }
0xa7: {  	s23 =	simm.s32 $0x1B8B  }
0xa8: {  	_ =	swait.ge [sflag:s23], $0x1  }
0xa9: {  	[sflag:s23] =	ssyncset.done $0x0  }
0xaa: {  	s25 =	simm.s32 $0x1B8E;
	s24 =	sld [smem:$0x3FFE];
	[sflag:s23] =	ssyncadd.s32 $0xFFFFFFFF  }
0xab: {  	s26 =	simm.s32 $execute0_lowered;
	[smem:$0x3FD2] =	sst s25  }
0xac: {  	s6 =	sshll.u32 s26, $0x1;
	_ =	strace $0x80000046;
	[dreg:$0x1] =	wrdreg $0xFFFFFFFF  }
0xad: {  	s28 =	simm.s32 $_size_execute0_lowered;
	s4 =	sadd.s32 s4, s6;
	[dreg:$0x0] =	wrdreg $0x0  }
0xae: {  	s6 =	sshll.u32 s28, $0x1;
	[dreg:$0x2] =	wrdreg s4  }
0xaf: {  	[dreg:$0x3] =	wrdreg s6  }
0xb0: {  	[dreg:$0x4] =	wrdreg $0xC0  }
0xb1: {  	_ =	task [dreg:s8], $0x5FFFF  }
0xb2: {  	[dreg:$0x1] =	wrdreg $0xFFFFFFFF  }
0xb3: {  	[dreg:$0x0] =	wrdreg $0x60  }
0xb4: {  	[dreg:$0x2] =	wrdreg s24  }
0xb5: {  	[dreg:$0x3] =	wrdreg s15  }
0xb6: {  	[dreg:$0x4] =	wrdreg s16  }
0xb7: {  	[dreg:$0x5] =	wrdreg $0x9  }
0xb8: {  	_ =	task.clear_ibuf [dreg:s8], $0x6FFFF;
	_ =	strace $0x90000046  }
0xb9: {  	s29 =	simm.s32 $0x9;
	_ =	strace $0x80000048  }
0xba: {  	_ =	swait.ge [sflag:s29], $0x1  }
0xbb: {  	[sflag:s29] =	ssyncadd.s32 $0xFFFFFFFF  }
0xbc: {  	_ =	strace $0x90000048  }
0xbd: {  	_ =	sfence  }
0xbe: {  	s30 =	sld [smem:$0x0];
	_ =	sdelay $0x2  }
0xbf: {  	s31 =	sshll.u32 s1, $0xD;
	s1 =	sshrl.u32 s1, $0x2  }
0xc0: {  	s3 =	sand.u32 $0x4000, s31;
	s1 =	sadd.s32 s1, s30  }
0xc1: {  	s0 =	sor.u32 s3, s0;
	s1 =	sshll.u32 s1, $0x11  }
0xc2: {  	s0 =	sor.u32 s1, s0  }
0xc3: {  	s0 =	sadd.s32 $0x8F2B, s0  }
0xc4: {  	[sflag:s0] =	ssyncadd.remote.s32 $0x1  }
0xc5: {  	_ =	sfence.sel $0xFFFF  }
0xc6: {  	[dreg:$0x0] =	wrdreg $0xFFFFFFFF;
	(pc) =	sbr.abs _section_cstart, $3  }
0xc7: {  	[dreg:$0x1] =	wrdreg $0xFFFFFFFF  }
0xc8: {  	_ =	task.clear_ibuf [dreg:s8], $0x2FFFF;
	_ =	strace $0x9FFFFFFF  }
0xc9: {  	(tm) =	ssettm $0x7FFFFFFF  }
tec
execute0_lowered:
.L_overlay_start_1:
0x0: {  	(tag) =	ssettag $0x1  }
0x1: {  	s1 =	rddreg [dreg:$0x0]  }
0x2: {  	s3 =	rddreg [dreg:$0x1]  }
0x3: {  	s4 =	rddreg [dreg:$0x2]  }
0x4: {  	s29 =	rddreg [dreg:$0x3]  }
0x5: {  	s2 =	simm.s32 $0x0;
	s0 =	srdreg.scid;
	s6 =	stileid.u32  }
0x6: {  	s8 =	simm.s32 $0x280;
	s9 =	simm.s32 $0x300;
	s10 =	simm.s32 $0x380  }
0x7: {  	s11 =	simm.s32 $0x480;
	s13 =	simm.s32 $0x500;
	s14 =	simm.s32 $0x580  }
0x8: {  	s17 =	simm.s32 $0x680;
	s18 =	simm.s32 $0x700;
	[smem:$0x7FF] =	sst s2  }
0x9: {  	s20 =	simm.s32 $0x780;
	_ =	strace $0x80000047;
	[dreg:$0x7] =	wrdreg s8  }
0xa: {  	s23 =	simm.s32 $0x900;
	s28 =	simm.s32 $0x180;
	[dreg:$0x8] =	wrdreg s9  }
0xb: {  	p0 =	por $0x0, $0x0;
	s31 =	simm.s32 $0xF00;
	[dreg:$0x9] =	wrdreg s10  }
0xc: {  	s30 =	simm.s32 $0xF80;
	s5 =	sand.u32 $0x1, s0;
	[dreg:$0xa] =	wrdreg s11  }
0xd: {  	s21 =	sadd.s32 $0x9E00, s1;
	s24 =	sshll.u32 s6, $0x7;
	[dreg:$0xb] =	wrdreg s13  }
0xe: {  	s12 =	sadd.s32 $0xA00, s1;
	s22 =	sadd.s32 $0xFFA8, s1;
	[dreg:$0xc] =	wrdreg s14  }
0xf: {  	s19 =	sadd.s32 $0x1307C, s1;
	s16 =	sadd.s32 $0x3AD4, s1;
	[dreg:$0xd] =	wrdreg s17  }
0x10: {  	s15 =	sadd.s32 $0x6BA8, s1;
	s25 =	sshll.u32 s5, $0x6;
	[dreg:$0xe] =	wrdreg s18  }
0x11: {  	s5 =	ssub.s32 $0x2, s5;
	s8 =	sadd.s32 $0x16A00, s1;
	[dreg:$0xf] =	wrdreg s20  }
0x12: {  	s9 =	simm.s32 $0x880;
	[dreg:$0x11] =	wrdreg s23;
	s20 =	simm.s32 $0x200  }
0x13: {  	s10 =	simm.s32 $0xA80;
	s11 =	simm.s32 $0xB00;
	[dreg:$0x10] =	wrdreg s9  }
0x14: {  	s13 =	simm.s32 $0xB80;
	s18 =	simm.s32 $0x400;
	[dreg:$0x13] =	wrdreg s10  }
0x15: {  	s14 =	simm.s32 $0xC80;
	s17 =	simm.s32 $0xD00;
	[dreg:$0x14] =	wrdreg s11  }
0x16: {  	s23 =	simm.s32 $0xD80;
	s0 =	sor.u32 s25, s24;
	[dreg:$0x15] =	wrdreg s13  }
0x17: {  	s7 =	sshrl.u32 s5, $0x1;
	s24 =	sadd.s32 $0xCED4, s1;
	[dreg:$0x16] =	wrdreg s14  }
0x18: {  	s25 =	simm.s32 $0x80;
	s13 =	simm.s32 $0x600;
	[dreg:$0x17] =	wrdreg s17  }
0x19: {  	s10 =	simm.s32 $0x800;
	[dreg:$0x18] =	wrdreg s23;
	s9 =	simm.s32 $0xA00  }
0x1a: {  	s14 =	simm.s32 $0x1;
	s6 =	sadd.s32 s0, s1;
	s3 =	sadd.s32 s3, s0  }
0x1b: {  	s5 =	ssub.s32 s5, s7;
	s26 =	sadd.s32 s4, s0;
	[dreg:$0x4] =	wrdreg s3  }
0x1c: {  	s1 =	sadd.s32 $0x17200, s1;
	[dreg:$0x5] =	wrdreg s26;
	s7 =	sadd.s32 $0x16200, s6  }
0x1d: {  	s6 =	sadd.s32 $0x800, s4;
	s5 =	smax.u32 s5, $0x1;
	s3 =	simm.s32 $0x3  }
0x1e: {  	s26 =	simm.s32 $0x980;
	[dreg:$0x6] =	wrdreg s7;
	p1 =	sne.s32 s5, $0x1  }
.Ltmp0:
0x1f: {  	s7 =	sadd.s32 $0x1000, s4;
	s4 =	sadd.s32 $0x1800, s4;
	(pc) =	sbr.rel @!p1 .LBB2_1-.Ltmp0, $4  }
0x20: {  	[dreg:$0x12] =	wrdreg s26;
	s26 =	simm.s32 $0x100;
	s23 =	sadd.s32 s0, s6  }
0x21: {  	s6 =	simm.s32 $0x2;
	s17 =	sadd.s32 s0, s7;
	s11 =	sadd.s32 s0, s4  }
0x22: {  	s7 =	sadd.s32 s0, s8;
	s4 =	sadd.s32 s0, s1;
	s8 =	simm.s32 $0xC00  }
0x23: {  	s0 =	sadd.s32 $0xFFFFFFFF, s5;
	s5 =	simm.s32 $0xE00;
	s1 =	rddreg [dreg:$0x4]  }
0x24: {  	[tilespmem:s2], [sflag:$0x3] =	stream.linear.gather [hbm4b:s1+s2], $0x200, $0x38;
	[tilespmem:$0x1000] =	vst v63  }
0x25: {  	_ =	swait.ge [sflag:s3], $0x200  }
0x26: {  	[sflag:s3] =	ssyncset.done $0x0  }
0x27: {  	[sflag:s3] =	ssyncadd.s32 $0xFFFFFE00  }
0x28: {  	[tilespmem:s20], [sflag:$0x1] =	stream.indirect.gather [hbm4b:s21+s25], $0x1, s2, s25, $0xb8;
	[tilespmem:$0x1000] =	vst v63  }
0x29: {  	s1 =	rddreg [dreg:$0x7]  }
0x2a: {  	[tilespmem:s1], [sflag:$0x1] =	stream.indirect.gather [hbm4b:s21+s25], $0x1, s25, s25, $0xb8;
	[tilespmem:$0x1000] =	vst v63  }
0x2b: {  	s29 =	smov.u32 s0;
	s0 =	rddreg [dreg:$0x8]  }
0x2c: {  	[tilespmem:s0], [sflag:$0x1] =	stream.indirect.gather [hbm4b:s21+s25], $0x1, s26, s25, $0xb8;
	[tilespmem:$0x1000] =	vst v63  }
0x2d: {  	s1 =	rddreg [dreg:$0x9]  }
0x2e: {  	[tilespmem:s1], [sflag:$0x1] =	stream.indirect.gather [hbm4b:s21+s25], $0x1, s28, s25, $0xb8;
	[tilespmem:$0x1000] =	vst v63  }
0x2f: {  	_ = 	snop  }
0x30: {  	[tilespmem:s18], [sflag:$0x1] =	stream.indirect.gather [hbm4b:s24+s25], $0x1, s2, s25, $0xb8;
	[tilespmem:$0x1000] =	vst v63  }
0x31: {  	s0 =	rddreg [dreg:$0xa]  }
0x32: {  	[tilespmem:s0], [sflag:$0x1] =	stream.indirect.gather [hbm4b:s24+s25], $0x1, s25, s25, $0xb8;
	[tilespmem:$0x1000] =	vst v63  }
0x33: {  	s1 =	rddreg [dreg:$0xb]  }
0x34: {  	[tilespmem:s1], [sflag:$0x1] =	stream.indirect.gather [hbm4b:s24+s25], $0x1, s26, s25, $0xb8;
	[tilespmem:$0x1000] =	vst v63  }
0x35: {  	s0 =	rddreg [dreg:$0xc]  }
0x36: {  	[tilespmem:s0], [sflag:$0x1] =	stream.indirect.gather [hbm4b:s24+s25], $0x1, s28, s25, $0xb8;
	[tilespmem:$0x1000] =	vst v63  }
0x37: {  	_ = 	snop  }
0x38: {  	[tilespmem:s13], [sflag:$0x1] =	stream.indirect.gather [hbm4b:s22+s25], $0x1, s2, s25, $0xb8;
	[tilespmem:$0x1000] =	vst v63  }
0x39: {  	s0 =	rddreg [dreg:$0xd]  }
0x3a: {  	[tilespmem:s0], [sflag:$0x1] =	stream.indirect.gather [hbm4b:s22+s25], $0x1, s25, s25, $0xb8;
	[tilespmem:$0x1000] =	vst v63  }
0x3b: {  	s1 =	rddreg [dreg:$0xe]  }
0x3c: {  	[tilespmem:s1], [sflag:$0x1] =	stream.indirect.gather [hbm4b:s22+s25], $0x1, s26, s25, $0xb8;
	[tilespmem:$0x1000] =	vst v63  }
0x3d: {  	s0 =	rddreg [dreg:$0xf]  }
0x3e: {  	[tilespmem:s0], [sflag:$0x1] =	stream.indirect.gather [hbm4b:s22+s25], $0x1, s28, s25, $0xb8;
	[tilespmem:$0x1000] =	vst v63  }
0x3f: {  	_ = 	snop  }
0x40: {  	[tilespmem:s10], [sflag:$0x1] =	stream.indirect.gather [hbm4b:s19+s25], $0x1, s2, s25, $0xb8;
	[tilespmem:$0x1000] =	vst v63  }
0x41: {  	s0 =	rddreg [dreg:$0x10]  }
0x42: {  	[tilespmem:s0], [sflag:$0x1] =	stream.indirect.gather [hbm4b:s19+s25], $0x1, s25, s25, $0xb8;
	[tilespmem:$0x1000] =	vst v63  }
0x43: {  	s1 =	rddreg [dreg:$0x11]  }
0x44: {  	[tilespmem:s1], [sflag:$0x1] =	stream.indirect.gather [hbm4b:s19+s25], $0x1, s26, s25, $0xb8;
	[tilespmem:$0x1000] =	vst v63  }
0x45: {  	s0 =	rddreg [dreg:$0x12]  }
0x46: {  	[tilespmem:s0], [sflag:$0x1] =	stream.indirect.gather [hbm4b:s19+s25], $0x1, s28, s25, $0xb8;
	[tilespmem:$0x1000] =	vst v63  }
0x47: {  	_ = 	snop  }
0x48: {  	[tilespmem:s9], [sflag:$0x2] =	stream.indirect.gather [hbm4b:s12+s25], $0x1, s2, s25, $0xb8;
	[tilespmem:$0x1000] =	vst v63  }
0x49: {  	s0 =	rddreg [dreg:$0x13]  }
0x4a: {  	[tilespmem:s0], [sflag:$0x2] =	stream.indirect.gather [hbm4b:s12+s25], $0x1, s25, s25, $0xb8;
	[tilespmem:$0x1000] =	vst v63  }
0x4b: {  	s1 =	rddreg [dreg:$0x14]  }
0x4c: {  	[tilespmem:s1], [sflag:$0x2] =	stream.indirect.gather [hbm4b:s12+s25], $0x1, s26, s25, $0xb8;
	[tilespmem:$0x1000] =	vst v63  }
0x4d: {  	s0 =	rddreg [dreg:$0x15]  }
0x4e: {  	[tilespmem:s0], [sflag:$0x2] =	stream.indirect.gather [hbm4b:s12+s25], $0x1, s28, s25, $0xb8;
	[tilespmem:$0x1000] =	vst v63  }
0x4f: {  	_ = 	snop  }
0x50: {  	[tilespmem:s8], [sflag:$0x2] =	stream.indirect.gather [hbm4b:s16+s25], $0x1, s2, s25, $0xb8;
	[tilespmem:$0x1000] =	vst v63  }
0x51: {  	s0 =	rddreg [dreg:$0x16]  }
0x52: {  	[tilespmem:s0], [sflag:$0x2] =	stream.indirect.gather [hbm4b:s16+s25], $0x1, s25, s25, $0xb8;
	[tilespmem:$0x1000] =	vst v63  }
0x53: {  	s1 =	rddreg [dreg:$0x17]  }
0x54: {  	[tilespmem:s1], [sflag:$0x2] =	stream.indirect.gather [hbm4b:s16+s25], $0x1, s26, s25, $0xb8;
	[tilespmem:$0x1000] =	vst v63  }
0x55: {  	s0 =	rddreg [dreg:$0x18]  }
0x56: {  	[tilespmem:s0], [sflag:$0x2] =	stream.indirect.gather [hbm4b:s16+s25], $0x1, s28, s25, $0xb8;
	[tilespmem:$0x1000] =	vst v63  }
0x57: {  	_ = 	snop  }
0x58: {  	[tilespmem:s5], [sflag:$0x2] =	stream.indirect.gather [hbm4b:s15+s25], $0x1, s2, s25, $0xb8;
	[tilespmem:$0x1000] =	vst v63  }
0x59: {  	s1 =	simm.s32 $0xE80  }
0x5a: {  	[tilespmem:s1], [sflag:$0x2] =	stream.indirect.gather [hbm4b:s15+s25], $0x1, s25, s25, $0xb8;
	[tilespmem:$0x1000] =	vst v63  }
0x5b: {  	_ = 	snop  }
0x5c: {  	[tilespmem:s31], [sflag:$0x2] =	stream.indirect.gather [hbm4b:s15+s25], $0x1, s26, s25, $0xb8;
	[tilespmem:$0x1000] =	vst v63  }
0x5d: {  	_ = 	snop  }
0x5e: {  	[tilespmem:s30], [sflag:$0x2] =	stream.indirect.gather [hbm4b:s15+s25], $0x1, s28, s25, $0xb8;
	[tilespmem:$0x1000] =	vst v63  }
0x5f: {  	_ =	swait.ge [sflag:s14], $0x80  }
0x60: {  	[sflag:s14] =	ssyncset.done $0x0  }
0x61: {  	[sflag:s14] =	ssyncadd.s32 $0xFFFFFF80  }
0x62: {  	_ =	swait.ge [sflag:s14], $0x80  }
0x63: {  	[sflag:s14] =	ssyncset.done $0x0  }
0x64: {  	[sflag:s14] =	ssyncadd.s32 $0xFFFFFF80  }
0x65: {  	_ =	swait.ge [sflag:s14], $0x80  }
0x66: {  	[sflag:s14] =	ssyncset.done $0x0  }
0x67: {  	[sflag:s14] =	ssyncadd.s32 $0xFFFFFF80  }
0x68: {  	_ =	swait.ge [sflag:s14], $0x80  }
0x69: {  	[sflag:s14] =	ssyncset.done $0x0  }
0x6a: {  	s1 =	rddreg [dreg:$0x5];
	[sflag:s14] =	ssyncadd.s32 $0xFFFFFF80  }
0x6b: {  	[hbm4b:s1+s2] =	stream.linear.scatter [tilespmem:s20], [sflag:$0x3], $0x200, $0x38;
	[tilespmem:$0x1000] =	vst v63  }
0x6c: {  	_ =	swait.ge [sflag:s3], $0x200  }
0x6d: {  	[sflag:s3] =	ssyncset.done $0x0  }
0x6e: {  	[sflag:s3] =	ssyncadd.s32 $0xFFFFFE00  }
0x6f: {  	_ =	swait.ge [sflag:s14], $0x80  }
0x70: {  	[sflag:s14] =	ssyncset.done $0x0  }
0x71: {  	[sflag:s14] =	ssyncadd.s32 $0xFFFFFF80  }
0x72: {  	_ =	swait.ge [sflag:s14], $0x80  }
0x73: {  	[sflag:s14] =	ssyncset.done $0x0  }
0x74: {  	[sflag:s14] =	ssyncadd.s32 $0xFFFFFF80  }
0x75: {  	_ =	swait.ge [sflag:s14], $0x80  }
0x76: {  	[sflag:s14] =	ssyncset.done $0x0  }
0x77: {  	[sflag:s14] =	ssyncadd.s32 $0xFFFFFF80  }
0x78: {  	_ =	swait.ge [sflag:s14], $0x80  }
0x79: {  	[sflag:s14] =	ssyncset.done $0x0  }
0x7a: {  	[sflag:s14] =	ssyncadd.s32 $0xFFFFFF80  }
0x7b: {  	[hbm4b:s23+s2] =	stream.linear.scatter [tilespmem:s18], [sflag:$0x3], $0x200, $0x38;
	[tilespmem:$0x1000] =	vst v63  }
0x7c: {  	_ =	swait.ge [sflag:s3], $0x200  }
0x7d: {  	[sflag:s3] =	ssyncset.done $0x0  }
0x7e: {  	[sflag:s3] =	ssyncadd.s32 $0xFFFFFE00  }
0x7f: {  	_ =	swait.ge [sflag:s14], $0x80  }
0x80: {  	[sflag:s14] =	ssyncset.done $0x0  }
0x81: {  	[sflag:s14] =	ssyncadd.s32 $0xFFFFFF80  }
0x82: {  	_ =	swait.ge [sflag:s14], $0x80  }
0x83: {  	[sflag:s14] =	ssyncset.done $0x0  }
0x84: {  	[sflag:s14] =	ssyncadd.s32 $0xFFFFFF80  }
0x85: {  	_ =	swait.ge [sflag:s14], $0x80  }
0x86: {  	[sflag:s14] =	ssyncset.done $0x0  }
0x87: {  	[sflag:s14] =	ssyncadd.s32 $0xFFFFFF80  }
0x88: {  	_ =	swait.ge [sflag:s14], $0x80  }
0x89: {  	[sflag:s14] =	ssyncset.done $0x0  }
0x8a: {  	[sflag:s14] =	ssyncadd.s32 $0xFFFFFF80  }
0x8b: {  	[hbm4b:s17+s2] =	stream.linear.scatter [tilespmem:s13], [sflag:$0x3], $0x200, $0x38;
	[tilespmem:$0x1000] =	vst v63  }
0x8c: {  	_ =	swait.ge [sflag:s3], $0x200  }
0x8d: {  	[sflag:s3] =	ssyncset.done $0x0  }
0x8e: {  	[sflag:s3] =	ssyncadd.s32 $0xFFFFFE00  }
0x8f: {  	_ =	swait.ge [sflag:s14], $0x80  }
0x90: {  	[sflag:s14] =	ssyncset.done $0x0  }
0x91: {  	[sflag:s14] =	ssyncadd.s32 $0xFFFFFF80  }
0x92: {  	_ =	swait.ge [sflag:s14], $0x80  }
0x93: {  	[sflag:s14] =	ssyncset.done $0x0  }
0x94: {  	[sflag:s14] =	ssyncadd.s32 $0xFFFFFF80  }
0x95: {  	_ =	swait.ge [sflag:s14], $0x80  }
0x96: {  	[sflag:s14] =	ssyncset.done $0x0  }
0x97: {  	[sflag:s14] =	ssyncadd.s32 $0xFFFFFF80  }
0x98: {  	_ =	swait.ge [sflag:s14], $0x80  }
0x99: {  	[sflag:s14] =	ssyncset.done $0x0  }
0x9a: {  	[sflag:s14] =	ssyncadd.s32 $0xFFFFFF80  }
0x9b: {  	[hbm4b:s11+s2] =	stream.linear.scatter [tilespmem:s10], [sflag:$0x3], $0x200, $0x38;
	[tilespmem:$0x1000] =	vst v63  }
0x9c: {  	_ =	swait.ge [sflag:s3], $0x200  }
0x9d: {  	[sflag:s3] =	ssyncset.done $0x0  }
0x9e: {  	[sflag:s3] =	ssyncadd.s32 $0xFFFFFE00  }
0x9f: {  	_ =	swait.ge [sflag:s6], $0x80  }
0xa0: {  	[sflag:s6] =	ssyncset.done $0x0  }
0xa1: {  	[sflag:s6] =	ssyncadd.s32 $0xFFFFFF80  }
0xa2: {  	_ =	swait.ge [sflag:s6], $0x80  }
0xa3: {  	[sflag:s6] =	ssyncset.done $0x0  }
0xa4: {  	[sflag:s6] =	ssyncadd.s32 $0xFFFFFF80  }
0xa5: {  	_ =	swait.ge [sflag:s6], $0x80  }
0xa6: {  	[sflag:s6] =	ssyncset.done $0x0  }
0xa7: {  	[sflag:s6] =	ssyncadd.s32 $0xFFFFFF80  }
0xa8: {  	_ =	swait.ge [sflag:s6], $0x80  }
0xa9: {  	[sflag:s6] =	ssyncset.done $0x0  }
0xaa: {  	s1 =	rddreg [dreg:$0x6];
	[sflag:s6] =	ssyncadd.s32 $0xFFFFFF80  }
0xab: {  	[hbm4b:s1+s2] =	stream.linear.scatter [tilespmem:s9], [sflag:$0x3], $0x200, $0x38;
	[tilespmem:$0x1000] =	vst v63  }
0xac: {  	_ =	swait.ge [sflag:s3], $0x200  }
0xad: {  	[sflag:s3] =	ssyncset.done $0x0  }
0xae: {  	[sflag:s3] =	ssyncadd.s32 $0xFFFFFE00  }
0xaf: {  	_ =	swait.ge [sflag:s6], $0x80  }
0xb0: {  	[sflag:s6] =	ssyncset.done $0x0  }
0xb1: {  	[sflag:s6] =	ssyncadd.s32 $0xFFFFFF80  }
0xb2: {  	_ =	swait.ge [sflag:s6], $0x80  }
0xb3: {  	[sflag:s6] =	ssyncset.done $0x0  }
0xb4: {  	[sflag:s6] =	ssyncadd.s32 $0xFFFFFF80  }
0xb5: {  	_ =	swait.ge [sflag:s6], $0x80  }
0xb6: {  	[sflag:s6] =	ssyncset.done $0x0  }
0xb7: {  	[sflag:s6] =	ssyncadd.s32 $0xFFFFFF80  }
0xb8: {  	_ =	swait.ge [sflag:s6], $0x80  }
0xb9: {  	[sflag:s6] =	ssyncset.done $0x0  }
0xba: {  	[sflag:s6] =	ssyncadd.s32 $0xFFFFFF80  }
0xbb: {  	[hbm4b:s7+s2] =	stream.linear.scatter [tilespmem:s8], [sflag:$0x3], $0x200, $0x38;
	[tilespmem:$0x1000] =	vst v63  }
0xbc: {  	_ =	swait.ge [sflag:s3], $0x200  }
0xbd: {  	[sflag:s3] =	ssyncset.done $0x0  }
0xbe: {  	[sflag:s3] =	ssyncadd.s32 $0xFFFFFE00  }
0xbf: {  	_ =	swait.ge [sflag:s6], $0x80  }
0xc0: {  	[sflag:s6] =	ssyncset.done $0x0  }
0xc1: {  	[sflag:s6] =	ssyncadd.s32 $0xFFFFFF80  }
0xc2: {  	_ =	swait.ge [sflag:s6], $0x80  }
0xc3: {  	[sflag:s6] =	ssyncset.done $0x0  }
0xc4: {  	[sflag:s6] =	ssyncadd.s32 $0xFFFFFF80  }
0xc5: {  	_ =	swait.ge [sflag:s6], $0x80  }
0xc6: {  	[sflag:s6] =	ssyncset.done $0x0  }
0xc7: {  	[sflag:s6] =	ssyncadd.s32 $0xFFFFFF80  }
0xc8: {  	p1 =	sne.s32 s29, $0x1;
	_ =	swait.ge [sflag:s6], $0x80  }
.Ltmp1:
0xc9: {  	[sflag:s6] =	ssyncset.done $0x0;
	(pc) =	sbr.rel @!p1 .LBB2_3-.Ltmp1, $4  }
0xca: {  	[sflag:s6] =	ssyncadd.s32 $0xFFFFFF80  }
0xcb: {  	[hbm4b:s4+s2] =	stream.linear.scatter [tilespmem:s5], [sflag:$0x3], $0x200, $0x38;
	[tilespmem:$0x1000] =	vst v63  }
0xcc: {  	p0 =	por $0x1, $0x1;
	_ =	swait.ge [sflag:s3], $0x200  }
0xcd: {  	s0 =	sadd.s32 $0xFFFFFFFF, s29;
	s1 =	rddreg [dreg:$0x4];
	[sflag:s3] =	ssyncset.done $0x0  }
.LBB2_4:
0xce: {  	[sflag:s3] =	ssyncadd.s32 $0xFFFFFE00  }
0xcf: {  	[tilespmem:s2], [sflag:$0x3] =	stream.linear.gather [hbm4b:s1+s2], $0x200, $0x38;
	[tilespmem:$0x1000] =	vst v63  }
0xd0: {  	_ =	swait.ge [sflag:s3], $0x200  }
0xd1: {  	[sflag:s3] =	ssyncset.done $0x0  }
0xd2: {  	[sflag:s3] =	ssyncadd.s32 $0xFFFFFE00  }
0xd3: {  	[tilespmem:s20], [sflag:$0x1] =	stream.indirect.gather [hbm4b:s21+s25], $0x1, s2, s25, $0xb8;
	[tilespmem:$0x1000] =	vst v63  }
0xd4: {  	s1 =	rddreg [dreg:$0x7]  }
0xd5: {  	[tilespmem:s1], [sflag:$0x1] =	stream.indirect.gather [hbm4b:s21+s25], $0x1, s25, s25, $0xb8;
	[tilespmem:$0x1000] =	vst v63  }
0xd6: {  	s29 =	rddreg [dreg:$0x8]  }
0xd7: {  	[tilespmem:s29], [sflag:$0x1] =	stream.indirect.gather [hbm4b:s21+s25], $0x1, s26, s25, $0xb8;
	[tilespmem:$0x1000] =	vst v63  }
0xd8: {  	s1 =	rddreg [dreg:$0x9]  }
0xd9: {  	[tilespmem:s1], [sflag:$0x1] =	stream.indirect.gather [hbm4b:s21+s25], $0x1, s28, s25, $0xb8;
	[tilespmem:$0x1000] =	vst v63  }
0xda: {  	_ = 	snop  }
0xdb: {  	[tilespmem:s18], [sflag:$0x1] =	stream.indirect.gather [hbm4b:s24+s25], $0x1, s2, s25, $0xb8;
	[tilespmem:$0x1000] =	vst v63  }
0xdc: {  	s1 =	rddreg [dreg:$0xa]  }
0xdd: {  	[tilespmem:s1], [sflag:$0x1] =	stream.indirect.gather [hbm4b:s24+s25], $0x1, s25, s25, $0xb8;
	[tilespmem:$0x1000] =	vst v63  }
0xde: {  	s29 =	rddreg [dreg:$0xb]  }
0xdf: {  	[tilespmem:s29], [sflag:$0x1] =	stream.indirect.gather [hbm4b:s24+s25], $0x1, s26, s25, $0xb8;
	[tilespmem:$0x1000] =	vst v63  }
0xe0: {  	s1 =	rddreg [dreg:$0xc]  }
0xe1: {  	[tilespmem:s1], [sflag:$0x1] =	stream.indirect.gather [hbm4b:s24+s25], $0x1, s28, s25, $0xb8;
	[tilespmem:$0x1000] =	vst v63  }
0xe2: {  	_ = 	snop  }
0xe3: {  	[tilespmem:s13], [sflag:$0x1] =	stream.indirect.gather [hbm4b:s22+s25], $0x1, s2, s25, $0xb8;
	[tilespmem:$0x1000] =	vst v63  }
0xe4: {  	s1 =	rddreg [dreg:$0xd]  }
0xe5: {  	[tilespmem:s1], [sflag:$0x1] =	stream.indirect.gather [hbm4b:s22+s25], $0x1, s25, s25, $0xb8;
	[tilespmem:$0x1000] =	vst v63  }
0xe6: {  	s29 =	rddreg [dreg:$0xe]  }
0xe7: {  	[tilespmem:s29], [sflag:$0x1] =	stream.indirect.gather [hbm4b:s22+s25], $0x1, s26, s25, $0xb8;
	[tilespmem:$0x1000] =	vst v63  }
0xe8: {  	s1 =	rddreg [dreg:$0xf]  }
0xe9: {  	[tilespmem:s1], [sflag:$0x1] =	stream.indirect.gather [hbm4b:s22+s25], $0x1, s28, s25, $0xb8;
	[tilespmem:$0x1000] =	vst v63  }
0xea: {  	_ = 	snop  }
0xeb: {  	[tilespmem:s10], [sflag:$0x1] =	stream.indirect.gather [hbm4b:s19+s25], $0x1, s2, s25, $0xb8;
	[tilespmem:$0x1000] =	vst v63  }
0xec: {  	s1 =	rddreg [dreg:$0x10]  }
0xed: {  	[tilespmem:s1], [sflag:$0x1] =	stream.indirect.gather [hbm4b:s19+s25], $0x1, s25, s25, $0xb8;
	[tilespmem:$0x1000] =	vst v63  }
0xee: {  	s29 =	rddreg [dreg:$0x11]  }
0xef: {  	[tilespmem:s29], [sflag:$0x1] =	stream.indirect.gather [hbm4b:s19+s25], $0x1, s26, s25, $0xb8;
	[tilespmem:$0x1000] =	vst v63  }
0xf0: {  	s1 =	rddreg [dreg:$0x12]  }
0xf1: {  	[tilespmem:s1], [sflag:$0x1] =	stream.indirect.gather [hbm4b:s19+s25], $0x1, s28, s25, $0xb8;
	[tilespmem:$0x1000] =	vst v63  }
0xf2: {  	_ = 	snop  }
0xf3: {  	[tilespmem:s9], [sflag:$0x2] =	stream.indirect.gather [hbm4b:s12+s25], $0x1, s2, s25, $0xb8;
	[tilespmem:$0x1000] =	vst v63  }
0xf4: {  	s1 =	rddreg [dreg:$0x13]  }
0xf5: {  	[tilespmem:s1], [sflag:$0x2] =	stream.indirect.gather [hbm4b:s12+s25], $0x1, s25, s25, $0xb8;
	[tilespmem:$0x1000] =	vst v63  }
0xf6: {  	s29 =	rddreg [dreg:$0x14]  }
0xf7: {  	[tilespmem:s29], [sflag:$0x2] =	stream.indirect.gather [hbm4b:s12+s25], $0x1, s26, s25, $0xb8;
	[tilespmem:$0x1000] =	vst v63  }
0xf8: {  	s1 =	rddreg [dreg:$0x15]  }
0xf9: {  	[tilespmem:s1], [sflag:$0x2] =	stream.indirect.gather [hbm4b:s12+s25], $0x1, s28, s25, $0xb8;
	[tilespmem:$0x1000] =	vst v63  }
0xfa: {  	_ = 	snop  }
0xfb: {  	[tilespmem:s8], [sflag:$0x2] =	stream.indirect.gather [hbm4b:s16+s25], $0x1, s2, s25, $0xb8;
	[tilespmem:$0x1000] =	vst v63  }
0xfc: {  	s1 =	rddreg [dreg:$0x16]  }
0xfd: {  	[tilespmem:s1], [sflag:$0x2] =	stream.indirect.gather [hbm4b:s16+s25], $0x1, s25, s25, $0xb8;
	[tilespmem:$0x1000] =	vst v63  }
0xfe: {  	s29 =	rddreg [dreg:$0x17]  }
0xff: {  	[tilespmem:s29], [sflag:$0x2] =	stream.indirect.gather [hbm4b:s16+s25], $0x1, s26, s25, $0xb8;
	[tilespmem:$0x1000] =	vst v63  }
0x100: {  	s1 =	rddreg [dreg:$0x18]  }
0x101: {  	[tilespmem:s1], [sflag:$0x2] =	stream.indirect.gather [hbm4b:s16+s25], $0x1, s28, s25, $0xb8;
	[tilespmem:$0x1000] =	vst v63  }
0x102: {  	_ = 	snop  }
0x103: {  	[tilespmem:s5], [sflag:$0x2] =	stream.indirect.gather [hbm4b:s15+s25], $0x1, s2, s25, $0xb8;
	[tilespmem:$0x1000] =	vst v63  }
0x104: {  	s29 =	simm.s32 $0xE80  }
0x105: {  	[tilespmem:s29], [sflag:$0x2] =	stream.indirect.gather [hbm4b:s15+s25], $0x1, s25, s25, $0xb8;
	[tilespmem:$0x1000] =	vst v63  }
0x106: {  	_ = 	snop  }
0x107: {  	[tilespmem:s31], [sflag:$0x2] =	stream.indirect.gather [hbm4b:s15+s25], $0x1, s26, s25, $0xb8;
	[tilespmem:$0x1000] =	vst v63  }
0x108: {  	_ = 	snop  }
0x109: {  	[tilespmem:s30], [sflag:$0x2] =	stream.indirect.gather [hbm4b:s15+s25], $0x1, s28, s25, $0xb8;
	[tilespmem:$0x1000] =	vst v63  }
0x10a: {  	_ =	swait.ge [sflag:s14], $0x80  }
0x10b: {  	[sflag:s14] =	ssyncset.done $0x0  }
0x10c: {  	[sflag:s14] =	ssyncadd.s32 $0xFFFFFF80  }
0x10d: {  	_ =	swait.ge [sflag:s14], $0x80  }
0x10e: {  	[sflag:s14] =	ssyncset.done $0x0  }
0x10f: {  	[sflag:s14] =	ssyncadd.s32 $0xFFFFFF80  }
0x110: {  	_ =	swait.ge [sflag:s14], $0x80  }
0x111: {  	[sflag:s14] =	ssyncset.done $0x0  }
0x112: {  	[sflag:s14] =	ssyncadd.s32 $0xFFFFFF80  }
0x113: {  	_ =	swait.ge [sflag:s14], $0x80  }
0x114: {  	[sflag:s14] =	ssyncset.done $0x0  }
0x115: {  	s29 =	rddreg [dreg:$0x5];
	[sflag:s14] =	ssyncadd.s32 $0xFFFFFF80  }
0x116: {  	[hbm4b:s29+s2] =	stream.linear.scatter [tilespmem:s20], [sflag:$0x3], $0x200, $0x38;
	[tilespmem:$0x1000] =	vst v63  }
0x117: {  	_ =	swait.ge [sflag:s3], $0x200  }
0x118: {  	[sflag:s3] =	ssyncset.done $0x0  }
0x119: {  	[sflag:s3] =	ssyncadd.s32 $0xFFFFFE00  }
0x11a: {  	_ =	swait.ge [sflag:s14], $0x80  }
0x11b: {  	[sflag:s14] =	ssyncset.done $0x0  }
0x11c: {  	[sflag:s14] =	ssyncadd.s32 $0xFFFFFF80  }
0x11d: {  	_ =	swait.ge [sflag:s14], $0x80  }
0x11e: {  	[sflag:s14] =	ssyncset.done $0x0  }
0x11f: {  	[sflag:s14] =	ssyncadd.s32 $0xFFFFFF80  }
0x120: {  	_ =	swait.ge [sflag:s14], $0x80  }
0x121: {  	[sflag:s14] =	ssyncset.done $0x0  }
0x122: {  	[sflag:s14] =	ssyncadd.s32 $0xFFFFFF80  }
0x123: {  	_ =	swait.ge [sflag:s14], $0x80  }
0x124: {  	[sflag:s14] =	ssyncset.done $0x0  }
0x125: {  	[sflag:s14] =	ssyncadd.s32 $0xFFFFFF80  }
0x126: {  	[hbm4b:s23+s2] =	stream.linear.scatter [tilespmem:s18], [sflag:$0x3], $0x200, $0x38;
	[tilespmem:$0x1000] =	vst v63  }
0x127: {  	_ =	swait.ge [sflag:s3], $0x200  }
0x128: {  	[sflag:s3] =	ssyncset.done $0x0  }
0x129: {  	[sflag:s3] =	ssyncadd.s32 $0xFFFFFE00  }
0x12a: {  	_ =	swait.ge [sflag:s14], $0x80  }
0x12b: {  	[sflag:s14] =	ssyncset.done $0x0  }
0x12c: {  	[sflag:s14] =	ssyncadd.s32 $0xFFFFFF80  }
0x12d: {  	_ =	swait.ge [sflag:s14], $0x80  }
0x12e: {  	[sflag:s14] =	ssyncset.done $0x0  }
0x12f: {  	[sflag:s14] =	ssyncadd.s32 $0xFFFFFF80  }
0x130: {  	_ =	swait.ge [sflag:s14], $0x80  }
0x131: {  	[sflag:s14] =	ssyncset.done $0x0  }
0x132: {  	[sflag:s14] =	ssyncadd.s32 $0xFFFFFF80  }
0x133: {  	_ =	swait.ge [sflag:s14], $0x80  }
0x134: {  	[sflag:s14] =	ssyncset.done $0x0  }
0x135: {  	[sflag:s14] =	ssyncadd.s32 $0xFFFFFF80  }
0x136: {  	[hbm4b:s17+s2] =	stream.linear.scatter [tilespmem:s13], [sflag:$0x3], $0x200, $0x38;
	[tilespmem:$0x1000] =	vst v63  }
0x137: {  	_ =	swait.ge [sflag:s3], $0x200  }
0x138: {  	[sflag:s3] =	ssyncset.done $0x0  }
0x139: {  	[sflag:s3] =	ssyncadd.s32 $0xFFFFFE00  }
0x13a: {  	_ =	swait.ge [sflag:s14], $0x80  }
0x13b: {  	[sflag:s14] =	ssyncset.done $0x0  }
0x13c: {  	[sflag:s14] =	ssyncadd.s32 $0xFFFFFF80  }
0x13d: {  	_ =	swait.ge [sflag:s14], $0x80  }
0x13e: {  	[sflag:s14] =	ssyncset.done $0x0  }
0x13f: {  	[sflag:s14] =	ssyncadd.s32 $0xFFFFFF80  }
0x140: {  	_ =	swait.ge [sflag:s14], $0x80  }
0x141: {  	[sflag:s14] =	ssyncset.done $0x0  }
0x142: {  	[sflag:s14] =	ssyncadd.s32 $0xFFFFFF80  }
0x143: {  	_ =	swait.ge [sflag:s14], $0x80  }
0x144: {  	[sflag:s14] =	ssyncset.done $0x0  }
0x145: {  	[sflag:s14] =	ssyncadd.s32 $0xFFFFFF80  }
0x146: {  	[hbm4b:s11+s2] =	stream.linear.scatter [tilespmem:s10], [sflag:$0x3], $0x200, $0x38;
	[tilespmem:$0x1000] =	vst v63  }
0x147: {  	_ =	swait.ge [sflag:s3], $0x200  }
0x148: {  	[sflag:s3] =	ssyncset.done $0x0  }
0x149: {  	[sflag:s3] =	ssyncadd.s32 $0xFFFFFE00  }
0x14a: {  	_ =	swait.ge [sflag:s6], $0x80  }
0x14b: {  	[sflag:s6] =	ssyncset.done $0x0  }
0x14c: {  	[sflag:s6] =	ssyncadd.s32 $0xFFFFFF80  }
0x14d: {  	_ =	swait.ge [sflag:s6], $0x80  }
0x14e: {  	[sflag:s6] =	ssyncset.done $0x0  }
0x14f: {  	[sflag:s6] =	ssyncadd.s32 $0xFFFFFF80  }
0x150: {  	_ =	swait.ge [sflag:s6], $0x80  }
0x151: {  	[sflag:s6] =	ssyncset.done $0x0  }
0x152: {  	[sflag:s6] =	ssyncadd.s32 $0xFFFFFF80  }
0x153: {  	_ =	swait.ge [sflag:s6], $0x80  }
0x154: {  	[sflag:s6] =	ssyncset.done $0x0  }
0x155: {  	s29 =	rddreg [dreg:$0x6];
	[sflag:s6] =	ssyncadd.s32 $0xFFFFFF80  }
0x156: {  	[hbm4b:s29+s2] =	stream.linear.scatter [tilespmem:s9], [sflag:$0x3], $0x200, $0x38;
	[tilespmem:$0x1000] =	vst v63  }
0x157: {  	_ =	swait.ge [sflag:s3], $0x200  }
0x158: {  	[sflag:s3] =	ssyncset.done $0x0  }
0x159: {  	[sflag:s3] =	ssyncadd.s32 $0xFFFFFE00  }
0x15a: {  	_ =	swait.ge [sflag:s6], $0x80  }
0x15b: {  	[sflag:s6] =	ssyncset.done $0x0  }
0x15c: {  	[sflag:s6] =	ssyncadd.s32 $0xFFFFFF80  }
0x15d: {  	_ =	swait.ge [sflag:s6], $0x80  }
0x15e: {  	[sflag:s6] =	ssyncset.done $0x0  }
0x15f: {  	[sflag:s6] =	ssyncadd.s32 $0xFFFFFF80  }
0x160: {  	_ =	swait.ge [sflag:s6], $0x80  }
0x161: {  	[sflag:s6] =	ssyncset.done $0x0  }
0x162: {  	[sflag:s6] =	ssyncadd.s32 $0xFFFFFF80  }
0x163: {  	_ =	swait.ge [sflag:s6], $0x80  }
0x164: {  	[sflag:s6] =	ssyncset.done $0x0  }
0x165: {  	[sflag:s6] =	ssyncadd.s32 $0xFFFFFF80  }
0x166: {  	[hbm4b:s7+s2] =	stream.linear.scatter [tilespmem:s8], [sflag:$0x3], $0x200, $0x38;
	[tilespmem:$0x1000] =	vst v63  }
0x167: {  	_ =	swait.ge [sflag:s3], $0x200  }
0x168: {  	[sflag:s3] =	ssyncset.done $0x0  }
0x169: {  	[sflag:s3] =	ssyncadd.s32 $0xFFFFFE00  }
0x16a: {  	_ =	swait.ge [sflag:s6], $0x80  }
0x16b: {  	[sflag:s6] =	ssyncset.done $0x0  }
0x16c: {  	[sflag:s6] =	ssyncadd.s32 $0xFFFFFF80  }
0x16d: {  	_ =	swait.ge [sflag:s6], $0x80  }
0x16e: {  	[sflag:s6] =	ssyncset.done $0x0  }
0x16f: {  	[sflag:s6] =	ssyncadd.s32 $0xFFFFFF80  }
0x170: {  	_ =	swait.ge [sflag:s6], $0x80  }
0x171: {  	[sflag:s6] =	ssyncset.done $0x0  }
0x172: {  	[sflag:s6] =	ssyncadd.s32 $0xFFFFFF80  }
0x173: {  	p1 =	sne.s32 s0, $0x1;
	_ =	swait.ge [sflag:s6], $0x80  }
.Ltmp2:
0x174: {  	[sflag:s6] =	ssyncset.done $0x0;
	(pc) =	sbr.rel @p1 .LBB2_4-.Ltmp2, $4  }
0x175: {  	[sflag:s6] =	ssyncadd.s32 $0xFFFFFF80  }
0x176: {  	[hbm4b:s4+s2] =	stream.linear.scatter [tilespmem:s5], [sflag:$0x3], $0x200, $0x38;
	[tilespmem:$0x1000] =	vst v63  }
0x177: {  	_ =	swait.ge [sflag:s3], $0x200  }
0x178: {  	s0 =	sadd.s32 $0xFFFFFFFF, s0;
	s1 =	rddreg [dreg:$0x4];
	[sflag:s3] =	ssyncset.done $0x0  }
0x179: {  	s31 =	simm.s32 $0xF00;
	s30 =	simm.s32 $0xE80;
	s29 =	rddreg [dreg:$0x3]  }
.LBB2_6:
0x17a: {  	[sflag:s3] =	ssyncadd.s32 @p0 $0xFFFFFE00  }
0x17b: {  	[tilespmem:s2], [sflag:$0x3] =	stream.linear.gather [hbm4b:s1+s2], $0x200, $0x38;
	[tilespmem:$0x1000] =	vst v63  }
0x17c: {  	_ =	swait.ge [sflag:s3], $0x200  }
0x17d: {  	[sflag:s3] =	ssyncset.done $0x0  }
0x17e: {  	[sflag:s3] =	ssyncadd.s32 $0xFFFFFE00  }
0x17f: {  	[tilespmem:s20], [sflag:$0x1] =	stream.indirect.gather [hbm4b:s21+s25], $0x1, s2, s25, $0xb8;
	[tilespmem:$0x1000] =	vst v63  }
0x180: {  	s0 =	rddreg [dreg:$0x7]  }
0x181: {  	[tilespmem:s0], [sflag:$0x1] =	stream.indirect.gather [hbm4b:s21+s25], $0x1, s25, s25, $0xb8;
	[tilespmem:$0x1000] =	vst v63  }
0x182: {  	s1 =	rddreg [dreg:$0x8]  }
0x183: {  	[tilespmem:s1], [sflag:$0x1] =	stream.indirect.gather [hbm4b:s21+s25], $0x1, s26, s25, $0xb8;
	[tilespmem:$0x1000] =	vst v63  }
0x184: {  	s0 =	rddreg [dreg:$0x9]  }
0x185: {  	[tilespmem:s0], [sflag:$0x1] =	stream.indirect.gather [hbm4b:s21+s25], $0x1, s28, s25, $0xb8;
	[tilespmem:$0x1000] =	vst v63  }
0x186: {  	_ = 	snop  }
0x187: {  	[tilespmem:s18], [sflag:$0x1] =	stream.indirect.gather [hbm4b:s24+s25], $0x1, s2, s25, $0xb8;
	[tilespmem:$0x1000] =	vst v63  }
0x188: {  	s21 =	rddreg [dreg:$0xa]  }
0x189: {  	[tilespmem:s21], [sflag:$0x1] =	stream.indirect.gather [hbm4b:s24+s25], $0x1, s25, s25, $0xb8;
	[tilespmem:$0x1000] =	vst v63  }
0x18a: {  	s1 =	rddreg [dreg:$0xb]  }
0x18b: {  	[tilespmem:s1], [sflag:$0x1] =	stream.indirect.gather [hbm4b:s24+s25], $0x1, s26, s25, $0xb8;
	[tilespmem:$0x1000] =	vst v63  }
0x18c: {  	s21 =	rddreg [dreg:$0xc]  }
0x18d: {  	[tilespmem:s21], [sflag:$0x1] =	stream.indirect.gather [hbm4b:s24+s25], $0x1, s28, s25, $0xb8;
	[tilespmem:$0x1000] =	vst v63  }
0x18e: {  	_ = 	snop  }
0x18f: {  	[tilespmem:s13], [sflag:$0x1] =	stream.indirect.gather [hbm4b:s22+s25], $0x1, s2, s25, $0xb8;
	[tilespmem:$0x1000] =	vst v63  }
0x190: {  	s21 =	rddreg [dreg:$0xd]  }
0x191: {  	[tilespmem:s21], [sflag:$0x1] =	stream.indirect.gather [hbm4b:s22+s25], $0x1, s25, s25, $0xb8;
	[tilespmem:$0x1000] =	vst v63  }
0x192: {  	s24 =	rddreg [dreg:$0xe]  }
0x193: {  	[tilespmem:s24], [sflag:$0x1] =	stream.indirect.gather [hbm4b:s22+s25], $0x1, s26, s25, $0xb8;
	[tilespmem:$0x1000] =	vst v63  }
0x194: {  	s21 =	rddreg [dreg:$0xf]  }
0x195: {  	[tilespmem:s21], [sflag:$0x1] =	stream.indirect.gather [hbm4b:s22+s25], $0x1, s28, s25, $0xb8;
	[tilespmem:$0x1000] =	vst v63  }
0x196: {  	_ = 	snop  }
0x197: {  	[tilespmem:s10], [sflag:$0x1] =	stream.indirect.gather [hbm4b:s19+s25], $0x1, s2, s25, $0xb8;
	[tilespmem:$0x1000] =	vst v63  }
0x198: {  	s22 =	rddreg [dreg:$0x10]  }
0x199: {  	[tilespmem:s22], [sflag:$0x1] =	stream.indirect.gather [hbm4b:s19+s25], $0x1, s25, s25, $0xb8;
	[tilespmem:$0x1000] =	vst v63  }
0x19a: {  	s24 =	rddreg [dreg:$0x11]  }
0x19b: {  	[tilespmem:s24], [sflag:$0x1] =	stream.indirect.gather [hbm4b:s19+s25], $0x1, s26, s25, $0xb8;
	[tilespmem:$0x1000] =	vst v63  }
0x19c: {  	s21 =	rddreg [dreg:$0x12]  }
0x19d: {  	[tilespmem:s21], [sflag:$0x1] =	stream.indirect.gather [hbm4b:s19+s25], $0x1, s28, s25, $0xb8;
	[tilespmem:$0x1000] =	vst v63  }
0x19e: {  	_ = 	snop  }
0x19f: {  	[tilespmem:s9], [sflag:$0x2] =	stream.indirect.gather [hbm4b:s12+s25], $0x1, s2, s25, $0xb8;
	[tilespmem:$0x1000] =	vst v63  }
0x1a0: {  	s22 =	rddreg [dreg:$0x13]  }
0x1a1: {  	[tilespmem:s22], [sflag:$0x2] =	stream.indirect.gather [hbm4b:s12+s25], $0x1, s25, s25, $0xb8;
	[tilespmem:$0x1000] =	vst v63  }
0x1a2: {  	s24 =	rddreg [dreg:$0x14]  }
0x1a3: {  	[tilespmem:s24], [sflag:$0x2] =	stream.indirect.gather [hbm4b:s12+s25], $0x1, s26, s25, $0xb8;
	[tilespmem:$0x1000] =	vst v63  }
0x1a4: {  	s19 =	rddreg [dreg:$0x15]  }
0x1a5: {  	[tilespmem:s19], [sflag:$0x2] =	stream.indirect.gather [hbm4b:s12+s25], $0x1, s28, s25, $0xb8;
	[tilespmem:$0x1000] =	vst v63  }
0x1a6: {  	_ = 	snop  }
0x1a7: {  	[tilespmem:s8], [sflag:$0x2] =	stream.indirect.gather [hbm4b:s16+s25], $0x1, s2, s25, $0xb8;
	[tilespmem:$0x1000] =	vst v63  }
0x1a8: {  	s21 =	rddreg [dreg:$0x16]  }
0x1a9: {  	[tilespmem:s21], [sflag:$0x2] =	stream.indirect.gather [hbm4b:s16+s25], $0x1, s25, s25, $0xb8;
	[tilespmem:$0x1000] =	vst v63  }
0x1aa: {  	s22 =	rddreg [dreg:$0x17]  }
0x1ab: {  	[tilespmem:s22], [sflag:$0x2] =	stream.indirect.gather [hbm4b:s16+s25], $0x1, s26, s25, $0xb8;
	[tilespmem:$0x1000] =	vst v63  }
0x1ac: {  	s24 =	rddreg [dreg:$0x18]  }
0x1ad: {  	[tilespmem:s24], [sflag:$0x2] =	stream.indirect.gather [hbm4b:s16+s25], $0x1, s28, s25, $0xb8;
	[tilespmem:$0x1000] =	vst v63  }
0x1ae: {  	_ = 	snop  }
0x1af: {  	[tilespmem:s5], [sflag:$0x2] =	stream.indirect.gather [hbm4b:s15+s25], $0x1, s2, s25, $0xb8;
	[tilespmem:$0x1000] =	vst v63  }
0x1b0: {  	_ = 	snop  }
0x1b1: {  	[tilespmem:s30], [sflag:$0x2] =	stream.indirect.gather [hbm4b:s15+s25], $0x1, s25, s25, $0xb8;
	[tilespmem:$0x1000] =	vst v63  }
0x1b2: {  	_ = 	snop  }
0x1b3: {  	[tilespmem:s31], [sflag:$0x2] =	stream.indirect.gather [hbm4b:s15+s25], $0x1, s26, s25, $0xb8;
	[tilespmem:$0x1000] =	vst v63  }
0x1b4: {  	s26 =	simm.s32 $0xF80  }
0x1b5: {  	[tilespmem:s26], [sflag:$0x2] =	stream.indirect.gather [hbm4b:s15+s25], $0x1, s28, s25, $0xb8;
	[tilespmem:$0x1000] =	vst v63  }
0x1b6: {  	_ =	swait.ge [sflag:s14], $0x80  }
0x1b7: {  	[sflag:s14] =	ssyncset.done $0x0  }
0x1b8: {  	[sflag:s14] =	ssyncadd.s32 $0xFFFFFF80  }
0x1b9: {  	_ =	swait.ge [sflag:s14], $0x80  }
0x1ba: {  	[sflag:s14] =	ssyncset.done $0x0  }
0x1bb: {  	[sflag:s14] =	ssyncadd.s32 $0xFFFFFF80  }
0x1bc: {  	_ =	swait.ge [sflag:s14], $0x80  }
0x1bd: {  	[sflag:s14] =	ssyncset.done $0x0  }
0x1be: {  	[sflag:s14] =	ssyncadd.s32 $0xFFFFFF80  }
0x1bf: {  	_ =	swait.ge [sflag:s14], $0x80  }
0x1c0: {  	[sflag:s14] =	ssyncset.done $0x0  }
0x1c1: {  	s28 =	rddreg [dreg:$0x5];
	[sflag:s14] =	ssyncadd.s32 $0xFFFFFF80  }
0x1c2: {  	[hbm4b:s28+s2] =	stream.linear.scatter [tilespmem:s20], [sflag:$0x3], $0x200, $0x38;
	[tilespmem:$0x1000] =	vst v63  }
0x1c3: {  	_ =	swait.ge [sflag:s3], $0x200  }
0x1c4: {  	[sflag:s3] =	ssyncset.done $0x0  }
0x1c5: {  	[sflag:s3] =	ssyncadd.s32 $0xFFFFFE00  }
0x1c6: {  	_ =	swait.ge [sflag:s14], $0x80  }
0x1c7: {  	[sflag:s14] =	ssyncset.done $0x0  }
0x1c8: {  	[sflag:s14] =	ssyncadd.s32 $0xFFFFFF80  }
0x1c9: {  	_ =	swait.ge [sflag:s14], $0x80  }
0x1ca: {  	[sflag:s14] =	ssyncset.done $0x0  }
0x1cb: {  	[sflag:s14] =	ssyncadd.s32 $0xFFFFFF80  }
0x1cc: {  	_ =	swait.ge [sflag:s14], $0x80  }
0x1cd: {  	[sflag:s14] =	ssyncset.done $0x0  }
0x1ce: {  	[sflag:s14] =	ssyncadd.s32 $0xFFFFFF80  }
0x1cf: {  	_ =	swait.ge [sflag:s14], $0x80  }
0x1d0: {  	[sflag:s14] =	ssyncset.done $0x0  }
0x1d1: {  	[sflag:s14] =	ssyncadd.s32 $0xFFFFFF80  }
0x1d2: {  	[hbm4b:s23+s2] =	stream.linear.scatter [tilespmem:s18], [sflag:$0x3], $0x200, $0x38;
	[tilespmem:$0x1000] =	vst v63  }
0x1d3: {  	_ =	swait.ge [sflag:s3], $0x200  }
0x1d4: {  	[sflag:s3] =	ssyncset.done $0x0  }
0x1d5: {  	[sflag:s3] =	ssyncadd.s32 $0xFFFFFE00  }
0x1d6: {  	_ =	swait.ge [sflag:s14], $0x80  }
0x1d7: {  	[sflag:s14] =	ssyncset.done $0x0  }
0x1d8: {  	[sflag:s14] =	ssyncadd.s32 $0xFFFFFF80  }
0x1d9: {  	_ =	swait.ge [sflag:s14], $0x80  }
0x1da: {  	[sflag:s14] =	ssyncset.done $0x0  }
0x1db: {  	[sflag:s14] =	ssyncadd.s32 $0xFFFFFF80  }
0x1dc: {  	_ =	swait.ge [sflag:s14], $0x80  }
0x1dd: {  	[sflag:s14] =	ssyncset.done $0x0  }
0x1de: {  	[sflag:s14] =	ssyncadd.s32 $0xFFFFFF80  }
0x1df: {  	_ =	swait.ge [sflag:s14], $0x80  }
0x1e0: {  	[sflag:s14] =	ssyncset.done $0x0  }
0x1e1: {  	[sflag:s14] =	ssyncadd.s32 $0xFFFFFF80  }
0x1e2: {  	[hbm4b:s17+s2] =	stream.linear.scatter [tilespmem:s13], [sflag:$0x3], $0x200, $0x38;
	[tilespmem:$0x1000] =	vst v63  }
0x1e3: {  	_ =	swait.ge [sflag:s3], $0x200  }
0x1e4: {  	[sflag:s3] =	ssyncset.done $0x0  }
0x1e5: {  	[sflag:s3] =	ssyncadd.s32 $0xFFFFFE00  }
0x1e6: {  	_ =	swait.ge [sflag:s14], $0x80  }
0x1e7: {  	[sflag:s14] =	ssyncset.done $0x0  }
0x1e8: {  	[sflag:s14] =	ssyncadd.s32 $0xFFFFFF80  }
0x1e9: {  	_ =	swait.ge [sflag:s14], $0x80  }
0x1ea: {  	[sflag:s14] =	ssyncset.done $0x0  }
0x1eb: {  	[sflag:s14] =	ssyncadd.s32 $0xFFFFFF80  }
0x1ec: {  	_ =	swait.ge [sflag:s14], $0x80  }
0x1ed: {  	[sflag:s14] =	ssyncset.done $0x0  }
0x1ee: {  	[sflag:s14] =	ssyncadd.s32 $0xFFFFFF80  }
0x1ef: {  	_ =	swait.ge [sflag:s14], $0x80  }
0x1f0: {  	[sflag:s14] =	ssyncset.done $0x0  }
0x1f1: {  	[sflag:s14] =	ssyncadd.s32 $0xFFFFFF80  }
0x1f2: {  	[hbm4b:s11+s2] =	stream.linear.scatter [tilespmem:s10], [sflag:$0x3], $0x200, $0x38;
	[tilespmem:$0x1000] =	vst v63  }
0x1f3: {  	_ =	swait.ge [sflag:s3], $0x200  }
0x1f4: {  	[sflag:s3] =	ssyncset.done $0x0  }
0x1f5: {  	[sflag:s3] =	ssyncadd.s32 $0xFFFFFE00  }
0x1f6: {  	_ =	swait.ge [sflag:s6], $0x80  }
0x1f7: {  	[sflag:s6] =	ssyncset.done $0x0  }
0x1f8: {  	[sflag:s6] =	ssyncadd.s32 $0xFFFFFF80  }
0x1f9: {  	_ =	swait.ge [sflag:s6], $0x80  }
0x1fa: {  	[sflag:s6] =	ssyncset.done $0x0  }
0x1fb: {  	[sflag:s6] =	ssyncadd.s32 $0xFFFFFF80  }
0x1fc: {  	_ =	swait.ge [sflag:s6], $0x80  }
0x1fd: {  	[sflag:s6] =	ssyncset.done $0x0  }
0x1fe: {  	[sflag:s6] =	ssyncadd.s32 $0xFFFFFF80  }
0x1ff: {  	_ =	swait.ge [sflag:s6], $0x80  }
0x200: {  	[sflag:s6] =	ssyncset.done $0x0  }
0x201: {  	s30 =	rddreg [dreg:$0x6];
	[sflag:s6] =	ssyncadd.s32 $0xFFFFFF80  }
0x202: {  	[hbm4b:s30+s2] =	stream.linear.scatter [tilespmem:s9], [sflag:$0x3], $0x200, $0x38;
	[tilespmem:$0x1000] =	vst v63  }
0x203: {  	_ =	swait.ge [sflag:s3], $0x200  }
0x204: {  	[sflag:s3] =	ssyncset.done $0x0  }
0x205: {  	[sflag:s3] =	ssyncadd.s32 $0xFFFFFE00  }
0x206: {  	_ =	swait.ge [sflag:s6], $0x80  }
0x207: {  	[sflag:s6] =	ssyncset.done $0x0  }
0x208: {  	[sflag:s6] =	ssyncadd.s32 $0xFFFFFF80  }
0x209: {  	_ =	swait.ge [sflag:s6], $0x80  }
0x20a: {  	[sflag:s6] =	ssyncset.done $0x0  }
0x20b: {  	[sflag:s6] =	ssyncadd.s32 $0xFFFFFF80  }
0x20c: {  	_ =	swait.ge [sflag:s6], $0x80  }
0x20d: {  	[sflag:s6] =	ssyncset.done $0x0  }
0x20e: {  	[sflag:s6] =	ssyncadd.s32 $0xFFFFFF80  }
0x20f: {  	_ =	swait.ge [sflag:s6], $0x80  }
0x210: {  	[sflag:s6] =	ssyncset.done $0x0  }
0x211: {  	[sflag:s6] =	ssyncadd.s32 $0xFFFFFF80  }
0x212: {  	[hbm4b:s7+s2] =	stream.linear.scatter [tilespmem:s8], [sflag:$0x3], $0x200, $0x38;
	[tilespmem:$0x1000] =	vst v63  }
0x213: {  	_ =	swait.ge [sflag:s3], $0x200  }
0x214: {  	[sflag:s3] =	ssyncset.done $0x0  }
0x215: {  	[sflag:s3] =	ssyncadd.s32 $0xFFFFFE00  }
0x216: {  	_ =	swait.ge [sflag:s6], $0x80  }
0x217: {  	[sflag:s6] =	ssyncset.done $0x0  }
0x218: {  	[sflag:s6] =	ssyncadd.s32 $0xFFFFFF80  }
0x219: {  	_ =	swait.ge [sflag:s6], $0x80  }
0x21a: {  	[sflag:s6] =	ssyncset.done $0x0  }
0x21b: {  	[sflag:s6] =	ssyncadd.s32 $0xFFFFFF80  }
0x21c: {  	_ =	swait.ge [sflag:s6], $0x80  }
0x21d: {  	[sflag:s6] =	ssyncset.done $0x0  }
0x21e: {  	[sflag:s6] =	ssyncadd.s32 $0xFFFFFF80  }
0x21f: {  	_ =	swait.ge [sflag:s6], $0x80  }
0x220: {  	[sflag:s6] =	ssyncset.done $0x0  }
0x221: {  	[sflag:s6] =	ssyncadd.s32 $0xFFFFFF80  }
0x222: {  	[hbm4b:s4+s2] =	stream.linear.scatter [tilespmem:s5], [sflag:$0x3], $0x200, $0x38;
	[tilespmem:$0x1000] =	vst v63  }
0x223: {  	_ =	swait.ge [sflag:s3], $0x200  }
0x224: {  	[sflag:s3] =	ssyncset.done $0x0  }
0x225: {  	[sflag:s3] =	ssyncadd.s32 $0xFFFFFE00  }
0x226: {  	_ =	sfence.sel $0x180000  }
0x227: {  	s31 =	stileid.u32;
	[bflag:$0x0] =	sbarrier.arrive $0xFFFF  }
0x228: {  	p0 =	sne.s32 s31, $0x0;
	_ =	strace $0x90000047  }
0x229: {  	s0 =	sadd.s32 @!p0 $0x100000, s29;
	[bflag:$0x2] =	sbarrier.arrive $0xFFFF  }
0x22a: {  	[sflag:s0] =	ssyncadd.tile.s32 @!p0 $0x1;
	_ =	shalt  }
.LBB2_1:
.Ltmp3:
0x22b: {  	(pc) =	sbr.rel .LBB2_6-.Ltmp3, $2  }
0x22c: {  	_ =	sdelay $0x2  }
0x22d: {  	s31 =	simm.s32 $0xF00;
	s30 =	simm.s32 $0xE80  }
.LBB2_3:
.Ltmp4:
0x22e: {  	(pc) =	sbr.rel .LBB2_6-.Ltmp4, $2  }
0x22f: {  	_ =	sdelay $0x2  }
0x230: {  	s31 =	simm.s32 $0xF00;
	s30 =	simm.s32 $0xE80;
	s29 =	rddreg [dreg:$0x3]  }
.Lfunc_end2:
_tile_overlayer_lowered:
.L_overlay_start_2:
0x231: {  	(tag) =	ssettag $0x2  }
0x232: {  	s0 =	rddreg [dreg:$0x0];
	s2 =	stileid.u32  }
0x233: {  	s1 =	rddreg [dreg:$0x1];
	p0 =	sne.s32 s2, $0x0  }
0x234: {  	s3 =	rddreg [dreg:$0x2];
	[bflag:$0x3] =	sbarrier.arrive $0xFFFF;
	s2 =	simm.s32 @!p0 $0x1C03  }
0x235: {  	[timem:s3], [sflag:s2] =	dma.local @!p0 [hbm:s0], s1  }
0x236: {  	s0 =	simm.s32 @!p0 $0x3  }
0x237: {  	_ =	swait.ge @!p0 [sflag:s0], s1  }
0x238: {  	s1 =	ssub.s32 @!p0 $0x0, s1;
	[sflag:s0] =	ssyncset.done @!p0 $0x0  }
0x239: {  	[sflag:s0] =	ssyncadd.s32 @!p0 s1  }
0x23a: {  	[bflag:$0x3] =	sbarrier.arrive $0xFFFF  }
0x23b: {  	_ =	shalt  }

</sc_bundles>
